<compile_context>
chip_gen: v7x
topology: tpu7x:2x2x1
jax: 0.10.2.dev20260603
libtpu: 0.0.44.dev20260713+nightly
codegen_flags: <defaults>
</compile_context>

<pallas_src>
import functools

import jax
import jax.numpy as jnp
from jax import lax
from jax.experimental import pallas as pl
from jax.experimental.pallas import tpu as pltpu
from jax.experimental.pallas import tpu_sc as plsc

BLK = 2816


def _sc_gather(feat, idx32):
    b = idx32.shape[0]
    d = feat.shape[1]
    window = 128
    mesh = plsc.VectorSubcoreMesh(core_axis_name="core", subcore_axis_name="subcore")
    indices = idx32.reshape((1, b))

    @functools.partial(
        pl.kernel,
        out_type=jax.ShapeDtypeStruct((b, d), feat.dtype),
        mesh=mesh,
    )
    def kern(x_hbm, i_hbm, o_hbm):
        def body(i_vmem, o_vmem):
            pltpu.sync_copy(x_hbm.at[i_vmem.at[0]], o_vmem)

        pltpu.emit_pipeline(
            body,
            grid=(b // window,),
            in_specs=[pl.BlockSpec((1, window), index_map=lambda i: (0, i))],
            out_specs=[pl.BlockSpec((window, d), index_map=lambda i: (i, 0))],
            core_axis_name="subcore",
            dimension_semantics=(pltpu.PARALLEL,),
        )(i_hbm, o_hbm)

    return kern(feat, indices)


def _tc_body(feat_ref, seg_ref, gat_ref, wu_ref, wv_ref, bv_ref, we_ref, pw_ref,
             out_ref, fv_s, eexp_s, den_s, *, n, b, nb):
    p = pl.program_id(0)
    i = pl.program_id(1)
    f32 = jnp.float32

    @pl.when(jnp.logical_and(p == 0, i == 0))
    def _prologue():
        fv = lax.dot_general(gat_ref[...], wv_ref[...], (((1,), (1,)), ((), ())),
                             preferred_element_type=f32)
        fv_s[...] = fv + bv_ref[...]
        den_s[...] = jnp.zeros_like(den_s)

    seg = seg_ref[...]
    iota_b = lax.broadcasted_iota(jnp.int32, (BLK, b), 1)
    valid_row = (i * BLK + lax.broadcasted_iota(jnp.int32, (1, BLK), 1)) < n

    @pl.when(p == 0)
    def _phase0():
        onehot = (seg == iota_b).astype(f32)
        u = lax.dot_general(feat_ref[...], wu_ref[...], (((1,), (1,)), ((), ())),
                            preferred_element_type=f32)
        fvb = lax.dot_general(onehot, fv_s[...], (((1,), (0,)), ((), ())),
                              preferred_element_type=f32)
        s = jax.nn.sigmoid(u + fvb)
        e_row = lax.dot_general(we_ref[...], s, (((1,), (1,)), ((), ())),
                                preferred_element_type=f32)
        eexp = jnp.where(valid_row, jnp.exp(e_row), 0.0)
        eexp_s[pl.ds(i, 1), :] = eexp
        den_s[...] += lax.dot_general(eexp, onehot, (((1,), (0,)), ((), ())),
                                      preferred_element_type=f32)

    @pl.when(p == 1)
    def _phase1():
        oh_bf = (seg == iota_b).astype(jnp.bfloat16)
        eexp_col = jnp.transpose(eexp_s[pl.ds(i, 1), :], (1, 0))
        valid_col = (i * BLK + lax.broadcasted_iota(jnp.int32, (BLK, 1), 0)) < n
        featn = jnp.where(valid_col, feat_ref[...] * eexp_col, 0.0)
        contrib = lax.dot_general(oh_bf, featn.astype(jnp.bfloat16),
                                  (((0,), (0,)), ((), ())),
                                  preferred_element_type=f32)

        @pl.when(i == 0)
        def _():
            out_ref[...] = contrib

        @pl.when(i > 0)
        def _():
            out_ref[...] += contrib

        @pl.when(i == nb - 1)
        def _():
            den = den_s[...]
            inv_col = jnp.transpose(jnp.where(den > 0, 1.0 / den, 0.0), (1, 0))
            acc = out_ref[...] * inv_col
            out_ref[...] = jnp.where(acc > 0, acc, pw_ref[...] * acc)


def _tc_main(feat, seg_pad, gathered, W_u, W_v, b_v, W_e, prelu_w):
    n, d = feat.shape
    h = W_u.shape[0]
    b = gathered.shape[0]
    nb = seg_pad.shape[0] // BLK
    nb_pad = ((nb + 7) // 8) * 8

    grid = (2, nb)
    body = functools.partial(_tc_body, n=n, b=b, nb=nb)
    return pl.pallas_call(
        body,
        grid=grid,
        in_specs=[
            pl.BlockSpec((BLK, d), lambda p, i: (i, 0)),
            pl.BlockSpec((BLK, 1), lambda p, i: (i, 0)),
            pl.BlockSpec((b, d), lambda p, i: (0, 0)),
            pl.BlockSpec((h, d), lambda p, i: (0, 0)),
            pl.BlockSpec((h, d), lambda p, i: (0, 0)),
            pl.BlockSpec((1, h), lambda p, i: (0, 0)),
            pl.BlockSpec((1, h), lambda p, i: (0, 0)),
            pl.BlockSpec((1, d), lambda p, i: (0, 0)),
        ],
        out_specs=pl.BlockSpec((b, d), lambda p, i: (0, 0)),
        out_shape=jax.ShapeDtypeStruct((b, d), jnp.float32),
        scratch_shapes=[
            pltpu.VMEM((b, h), jnp.float32),
            pltpu.VMEM((nb_pad, BLK), jnp.float32),
            pltpu.VMEM((1, b), jnp.float32),
        ],
        compiler_params=pltpu.CompilerParams(
            dimension_semantics=("arbitrary", "arbitrary"),
        ),
    )(feat, seg_pad, gathered, W_u, W_v, b_v, W_e, prelu_w)


def kernel(feat, segment_ids, last_nodes, W_u, W_v, b_v, W_e, prelu_w):
    n, d = feat.shape
    h = W_u.shape[0]
    b = last_nodes.shape[0]
    nb = -(-n // BLK)
    np_ = nb * BLK

    seg32 = segment_ids.astype(jnp.int32)
    seg_pad = jnp.full((np_,), b, jnp.int32).at[:n].set(seg32).reshape(np_, 1)
    idx32 = last_nodes.astype(jnp.int32)

    gathered = _sc_gather(feat, idx32)
    return _tc_main(feat, seg_pad, gathered,
                    W_u, W_v,
                    b_v.reshape(1, h).astype(jnp.float32),
                    W_e, prelu_w.reshape(1, d).astype(jnp.float32))

# --- scband reference (transcript-rebuilt; emitter-appended) ---
"""Pipeline reference for scband-readout-72799695667428 (READ-ONLY COPY).

The authoritative reference and input builder live on the scoring server;
editing this copy changes nothing except your own understanding.
"""

import jax, jax.numpy as jnp
import numpy as np

N = 50000
B = 1024
D = 256
H = 256

def setup_inputs(seed: int = 0) -> dict:
    key = jax.random.key(seed)
    ks = jax.random.split(key, 8)
    feat = jax.random.normal(ks[0], (N, D), dtype=jnp.float32)
    segment_ids = jnp.sort(jax.random.randint(ks[1], (N,), 0, B)).astype(jnp.int64)
    last_nodes = jax.random.randint(ks[2], (B,), 0, N).astype(jnp.int64)
    W_u = jax.random.normal(ks[3], (H, D), dtype=jnp.float32) / np.sqrt(D)
    W_v = jax.random.normal(ks[4], (H, D), dtype=jnp.float32) / np.sqrt(D)
    b_v = jnp.zeros((H,), dtype=jnp.float32)
    W_e = jax.random.normal(ks[5], (1, H), dtype=jnp.float32) / np.sqrt(H)
    prelu_w = jnp.full((D,), 0.25, dtype=jnp.float32)
    return {"feat": feat, "segment_ids": segment_ids, "last_nodes": last_nodes,
            "W_u": W_u, "W_v": W_v, "b_v": b_v, "W_e": W_e, "prelu_w": prelu_w}


def reference(feat, segment_ids, last_nodes, W_u, W_v, b_v, W_e, prelu_w):
    # batch_norm=None, feat_drop=0.0 -> identity
    feat_u = feat @ W_u.T                               # [N, H]
    feat_v = feat[last_nodes] @ W_v.T + b_v             # [B, H]
    feat_v_b = feat_v[segment_ids]                      # dgl.broadcast_nodes
    e = (jax.nn.sigmoid(feat_u + feat_v_b) @ W_e.T)[:, 0]  # [N]
    # segment softmax
    m = jax.ops.segment_max(e, segment_ids, num_segments=B)
    e_exp = jnp.exp(e - m[segment_ids])
    denom = jax.ops.segment_sum(e_exp, segment_ids, num_segments=B)
    alpha = e_exp / denom[segment_ids]                  # [N]
    feat_norm = feat * alpha[:, None]                   # [N, D]
    rst = jax.ops.segment_sum(feat_norm, segment_ids, num_segments=B)  # [B, D]
    # fc_out is None since output_dim == input_dim
    rst = jnp.where(rst > 0, rst, prelu_w[None, :] * rst)  # PReLU(output_dim)
    return rst

if __name__ == "__main__":
    import jax
    _d = setup_inputs()
    print(jax.jit(kernel)(*tuple(_d.values())))

</pallas_src>

<mosaic_0001>
#map = affine_map<(d0, d1) -> (0, 0)>
module attributes {stable_mosaic.version = 14 : i64} {
  func.func @kern(%arg0: i32, %arg1: i32, %arg2: memref<50000x256xf32, #tpu.memory_space<hbm>>, %arg3: memref<1x1024xi32, #tpu.memory_space<hbm>>, %arg4: memref<1024x256xf32, #tpu.memory_space<hbm>>) attributes {dimension_semantics = [#tpu.dimension_semantics<core_parallel>, #tpu.dimension_semantics<subcore_parallel>], iteration_bounds = array<i64: 2, 16>, scalar_prefetch = 0 : i64, scratch_operands = 0 : i64, tpu.core_type = #tpu.core_type<sc_vector_subcore>, window_params = [{transform_indices = #map}, {transform_indices = #map}, {transform_indices = #map}]} {
    %lt3A = arith.constant 8 : i32
    %lt3A_0 = arith.cmpi slt, %arg1, %lt3A : i32
    %jit3A = arith.constant 1 : i32
    %jit3A_1 = arith.constant 0 : i32
    %select_n3A = arith.select %lt3A_0, %jit3A, %jit3A_1 : i32
    %lt3A_2 = arith.constant 8 : i32
    %lt3A_3 = arith.cmpi slt, %arg1, %lt3A_2 : i32
    %mul3A = arith.muli %arg1, %select_n3A : i32
    %mul3A_4 = arith.constant 0 : i32
    %mul3A_5 = arith.muli %arg1, %mul3A_4 : i32
    %add3A = arith.constant 8 : i32
    %add3A_6 = arith.addi %mul3A_5, %add3A : i32
    %select_n3A_7 = arith.select %lt3A_3, %mul3A, %add3A_6 : i32
    %mul3A_8 = arith.constant 1 : i32
    %mul3A_9 = arith.muli %mul3A_8, %select_n3A : i32
    "tpu.region"() ({
      %run_scoped3A = memref.alloca() : memref<2x1x128xi32, #tpu.memory_space<vmem>>
      %run_scoped3A_10 = tpu.sem_alloc : memref<2x!tpu.dma_semaphore, #tpu.memory_space<semaphore_mem>>
      %run_scoped3A_11 = memref.alloca() : memref<2x128x256xf32, #tpu.memory_space<vmem>>
      %run_scoped3A_12 = tpu.sem_alloc : memref<2x!tpu.dma_semaphore, #tpu.memory_space<semaphore_mem>>
      %gt3A = arith.constant 0 : i32
      %gt3A_13 = arith.cmpi sgt, %mul3A_9, %gt3A : i32
      %convert_element_type3A = arith.extui %gt3A_13 : i1 to i32
      %cond3A = arith.constant 0 : i32
      %cond3A_14 = arith.cmpi ne, %convert_element_type3A, %cond3A : i32
      scf.if %cond3A_14 {
        %mul3A_15 = arith.constant 1 : i32
        %mul3A_16 = arith.muli %mul3A_15, %select_n3A : i32
        %sub3A = arith.constant 1 : i32
        %sub3A_17 = arith.subi %mul3A_16, %sub3A : i32
        %eq3A = arith.constant 0 : i32
        %eq3A_18 = arith.cmpi eq, %sub3A_17, %eq3A : i32
        %add3A_19 = arith.constant 0 : i32
        %add3A_20 = arith.addi %add3A_19, %select_n3A_7 : i32
        %select_n3A_21 = arith.constant true
        %select_n3A_22 = arith.constant 0 : i32
        %select_n3A_23 = arith.constant -1 : i32
        %select_n3A_24 = arith.select %select_n3A_21, %select_n3A_23, %select_n3A_22 : i32
        %eq3A_25 = arith.constant -1 : i32
        %eq3A_26 = arith.cmpi eq, %select_n3A_24, %eq3A_25 : i32
        %sub3A_27 = arith.constant 1 : i32
        %sub3A_28 = arith.subi %select_n3A, %sub3A_27 : i32
        %select_n3A_29 = arith.select %eq3A_26, %sub3A_28, %select_n3A_24 : i32
        %add3A_30 = arith.addi %select_n3A_29, %select_n3A_7 : i32
        %select_n3A_31 = arith.constant true
        %select_n3A_32 = arith.constant 0 : i32
        %select_n3A_33 = arith.constant 1 : i32
        %select_n3A_34 = arith.select %select_n3A_31, %select_n3A_33, %select_n3A_32 : i32
        %eq3A_35 = arith.cmpi eq, %select_n3A_34, %select_n3A : i32
        %select_n3A_36 = arith.constant 0 : i32
        %select_n3A_37 = arith.select %eq3A_35, %select_n3A_36, %select_n3A_34 : i32
        %add3A_38 = arith.addi %select_n3A_37, %select_n3A_7 : i32
        %add3A_39 = arith.constant 1 : i32
        %add3A_40 = arith.addi %select_n3A_37, %add3A_39 : i32
        %select_n3A_41 = arith.constant true
        %select_n3A_42 = arith.select %select_n3A_41, %add3A_40, %select_n3A_37 : i32
        %eq3A_43 = arith.cmpi eq, %select_n3A_42, %select_n3A : i32
        %select_n3A_44 = arith.constant 0 : i32
        %select_n3A_45 = arith.select %eq3A_43, %select_n3A_44, %select_n3A_42 : i32
        %add3A_46 = arith.addi %select_n3A_45, %select_n3A_7 : i32
        "tpu.trace_start"() <{level = 10 : i32, message = "ep_initialize_0"}> : () -> ()
        %rem3A = arith.constant 0 : i32
        %rem3A_47 = arith.constant 2 : i32
        %rem3A_48 = arith.remui %rem3A, %rem3A_47 : i32
        %mul3A_49 = arith.constant 128 : i32
        %mul3A_50 = arith.muli %mul3A_49, %add3A_20 : i32
        %dma_start3A = arith.constant 0 : i32
        %dma_start3A_51 = arith.constant 0 : i32
        %dma_start3A_52 = tpu.memref_slice %run_scoped3A[%rem3A_48, %dma_start3A, %dma_start3A_51] : memref<2x1x128xi32, #tpu.memory_space<vmem>> -> memref<1x1x128xi32, #tpu.memory_space<vmem>>
        %dma_start3A_53 = tpu.memref_squeeze %dma_start3A_52 : memref<1x1x128xi32, #tpu.memory_space<vmem>> -> memref<1x128xi32, #tpu.memory_space<vmem>>
        %dma_start3A_54 = arith.constant 0 : i32
        %dma_start3A_55 = tpu.memref_slice %arg3[%dma_start3A_54, %mul3A_50] : memref<1x1024xi32, #tpu.memory_space<hbm>> -> memref<1x128xi32, #tpu.memory_space<hbm>>
        %dma_start3A_56 = tpu.memref_slice %run_scoped3A_10[%rem3A_48] : memref<2x!tpu.dma_semaphore, #tpu.memory_space<semaphore_mem>> -> memref<1x!tpu.dma_semaphore, #tpu.memory_space<semaphore_mem>>
        %dma_start3A_57 = tpu.memref_squeeze %dma_start3A_56 : memref<1x!tpu.dma_semaphore, #tpu.memory_space<semaphore_mem>> -> memref<!tpu.dma_semaphore, #tpu.memory_space<semaphore_mem>>
        %dma_start3A_58 = arith.constant 0 : i32
        %dma_start3A_59 = arith.constant 0 : i32
        %dma_start3A_60 = tpu.memref_slice %run_scoped3A[%rem3A_48, %dma_start3A_58, %dma_start3A_59] : memref<2x1x128xi32, #tpu.memory_space<vmem>> -> memref<1x1x128xi32, #tpu.memory_space<vmem>>
        %dma_start3A_61 = tpu.memref_squeeze %dma_start3A_60 : memref<1x1x128xi32, #tpu.memory_space<vmem>> -> memref<1x128xi32, #tpu.memory_space<vmem>>
        %dma_start3A_62 = arith.constant 0 : i32
        %dma_start3A_63 = tpu.memref_slice %arg3[%dma_start3A_62, %mul3A_50] : memref<1x1024xi32, #tpu.memory_space<hbm>> -> memref<1x128xi32, #tpu.memory_space<hbm>>
        tpu.enqueue_dma source(%dma_start3A_63 : memref<1x128xi32, #tpu.memory_space<hbm>>) target(%dma_start3A_61 : memref<1x128xi32, #tpu.memory_space<vmem>>) target_semaphore(%dma_start3A_57 : memref<!tpu.dma_semaphore, #tpu.memory_space<semaphore_mem>>)
        %add3A_64 = arith.constant 0 : i32
        %add3A_65 = arith.constant 1 : i32
        %add3A_66 = arith.addi %add3A_64, %add3A_65 : i32
        %select_n3A_67 = arith.constant true
        %select_n3A_68 = arith.constant 0 : i32
        %select_n3A_69 = arith.select %select_n3A_67, %add3A_66, %select_n3A_68 : i32
        %while3A = arith.constant 0 : i32
        %while3A_70 = arith.constant 0 : i32
        %while3A_71 = arith.constant 0 : i32
        %while3A_72 = arith.constant 0 : i32
        %while3A_73 = arith.constant 0 : i32
        "tpu.trace_stop"() : () -> ()
        %while3A_74 = arith.subi %mul3A_9, %while3A : i32
        %while3A_75 = arith.addi %while3A, %while3A_74 : i32
        %while3A_76 = arith.constant 1 : i32
        %while3A_77 = arith.divsi %while3A_74, %while3A_76 : i32
        %while3A_78 = arith.muli %while3A_77, %while3A_76 : i32
        %while3A_79 = arith.addi %while3A, %while3A_78 : i32
        %while3A_80 = arith.constant 1 : i32
        %while3A_81:5 = scf.for %while3A_135 = %while3A to %while3A_79 step %while3A_80 iter_args(%while3A_136 = %select_n3A_69, %while3A_137 = %while3A_70, %while3A_138 = %while3A_71, %while3A_139 = %while3A_72, %while3A_140 = %while3A_73) -> (i32, i32, i32, i32, i32)  : i32 {
          %mul3A_141 = arith.constant 1 : i32
          %mul3A_142 = arith.muli %mul3A_141, %select_n3A : i32
          %eq3A_143 = arith.constant 0 : i32
          %eq3A_144 = arith.cmpi eq, %while3A_135, %eq3A_143 : i32
          %sub3A_145 = arith.constant 1 : i32
          %sub3A_146 = arith.subi %mul3A_142, %sub3A_145 : i32
          %eq3A_147 = arith.cmpi eq, %while3A_135, %sub3A_146 : i32
          %add3A_148 = arith.addi %while3A_140, %select_n3A_7 : i32
          %sub3A_149 = arith.constant 1 : i32
          %sub3A_150 = arith.subi %while3A_140, %sub3A_149 : i32
          %select_n3A_151 = arith.constant true
          %select_n3A_152 = arith.select %select_n3A_151, %sub3A_150, %while3A_140 : i32
          %eq3A_153 = arith.constant -1 : i32
          %eq3A_154 = arith.cmpi eq, %select_n3A_152, %eq3A_153 : i32
          %sub3A_155 = arith.constant 1 : i32
          %sub3A_156 = arith.subi %select_n3A, %sub3A_155 : i32
          %select_n3A_157 = arith.select %eq3A_154, %sub3A_156, %select_n3A_152 : i32
          %add3A_158 = arith.addi %select_n3A_157, %select_n3A_7 : i32
          %add3A_159 = arith.constant 1 : i32
          %add3A_160 = arith.addi %while3A_140, %add3A_159 : i32
          %select_n3A_161 = arith.constant true
          %select_n3A_162 = arith.select %select_n3A_161, %add3A_160, %while3A_140 : i32
          %eq3A_163 = arith.cmpi eq, %select_n3A_162, %select_n3A : i32
          %select_n3A_164 = arith.constant 0 : i32
          %select_n3A_165 = arith.select %eq3A_163, %select_n3A_164, %select_n3A_162 : i32
          %add3A_166 = arith.addi %select_n3A_165, %select_n3A_7 : i32
          %add3A_167 = arith.constant 1 : i32
          %add3A_168 = arith.addi %select_n3A_165, %add3A_167 : i32
          %select_n3A_169 = arith.constant true
          %select_n3A_170 = arith.select %select_n3A_169, %add3A_168, %select_n3A_165 : i32
          %eq3A_171 = arith.cmpi eq, %select_n3A_170, %select_n3A : i32
          %select_n3A_172 = arith.constant 0 : i32
          %select_n3A_173 = arith.select %eq3A_171, %select_n3A_172, %select_n3A_170 : i32
          %add3A_174 = arith.addi %select_n3A_173, %select_n3A_7 : i32
          %ne3A = arith.cmpi ne, %add3A_148, %add3A_166 : i32
          %or3A = arith.constant false
          %or3A_175 = arith.ori %or3A, %ne3A : i1
          %sub3A_176 = arith.constant 2 : i32
          %sub3A_177 = arith.subi %mul3A_142, %sub3A_176 : i32
          %add3A_178 = arith.constant 1 : i32
          %add3A_179 = arith.addi %sub3A_177, %add3A_178 : i32
          %ge3A = arith.cmpi sge, %while3A_135, %add3A_179 : i32
          %not3A = arith.constant true
          %not3A_180 = arith.xori %ge3A, %not3A : i1
          %and3A = arith.andi %or3A_175, %not3A_180 : i1
          %convert_element_type3A_181 = arith.extui %and3A : i1 to i32
          %cond3A_182 = arith.constant 0 : i32
          %cond3A_183 = arith.cmpi ne, %convert_element_type3A_181, %cond3A_182 : i32
          scf.if %cond3A_183 {
            "tpu.trace_start"() <{level = 10 : i32, message = "ep_copy_in"}> : () -> ()
            %rem3A_287 = arith.constant 2 : i32
            %rem3A_288 = arith.remui %while3A_136, %rem3A_287 : i32
            %mul3A_289 = arith.constant 128 : i32
            %mul3A_290 = arith.muli %mul3A_289, %add3A_166 : i32
            %dma_start3A_291 = arith.constant 0 : i32
            %dma_start3A_292 = arith.constant 0 : i32
            %dma_start3A_293 = tpu.memref_slice %run_scoped3A[%rem3A_288, %dma_start3A_291, %dma_start3A_292] : memref<2x1x128xi32, #tpu.memory_space<vmem>> -> memref<1x1x128xi32, #tpu.memory_space<vmem>>
            %dma_start3A_294 = tpu.memref_squeeze %dma_start3A_293 : memref<1x1x128xi32, #tpu.memory_space<vmem>> -> memref<1x128xi32, #tpu.memory_space<vmem>>
            %dma_start3A_295 = arith.constant 0 : i32
            %dma_start3A_296 = tpu.memref_slice %arg3[%dma_start3A_295, %mul3A_290] : memref<1x1024xi32, #tpu.memory_space<hbm>> -> memref<1x128xi32, #tpu.memory_space<hbm>>
            %dma_start3A_297 = tpu.memref_slice %run_scoped3A_10[%rem3A_288] : memref<2x!tpu.dma_semaphore, #tpu.memory_space<semaphore_mem>> -> memref<1x!tpu.dma_semaphore, #tpu.memory_space<semaphore_mem>>
            %dma_start3A_298 = tpu.memref_squeeze %dma_start3A_297 : memref<1x!tpu.dma_semaphore, #tpu.memory_space<semaphore_mem>> -> memref<!tpu.dma_semaphore, #tpu.memory_space<semaphore_mem>>
            %dma_start3A_299 = arith.constant 0 : i32
            %dma_start3A_300 = arith.constant 0 : i32
            %dma_start3A_301 = tpu.memref_slice %run_scoped3A[%rem3A_288, %dma_start3A_299, %dma_start3A_300] : memref<2x1x128xi32, #tpu.memory_space<vmem>> -> memref<1x1x128xi32, #tpu.memory_space<vmem>>
            %dma_start3A_302 = tpu.memref_squeeze %dma_start3A_301 : memref<1x1x128xi32, #tpu.memory_space<vmem>> -> memref<1x128xi32, #tpu.memory_space<vmem>>
            %dma_start3A_303 = arith.constant 0 : i32
            %dma_start3A_304 = tpu.memref_slice %arg3[%dma_start3A_303, %mul3A_290] : memref<1x1024xi32, #tpu.memory_space<hbm>> -> memref<1x128xi32, #tpu.memory_space<hbm>>
            tpu.enqueue_dma source(%dma_start3A_304 : memref<1x128xi32, #tpu.memory_space<hbm>>) target(%dma_start3A_302 : memref<1x128xi32, #tpu.memory_space<vmem>>) target_semaphore(%dma_start3A_298 : memref<!tpu.dma_semaphore, #tpu.memory_space<semaphore_mem>>)
            "tpu.trace_stop"() : () -> ()
          } else {
          }
          %and3A_184 = arith.constant true
          %and3A_185 = arith.andi %and3A, %and3A_184 : i1
          %add3A_186 = arith.constant 1 : i32
          %add3A_187 = arith.addi %while3A_136, %add3A_186 : i32
          %select_n3A_188 = arith.select %and3A_185, %add3A_187, %while3A_136 : i32
          %ne3A_189 = arith.cmpi ne, %add3A_148, %add3A_166 : i32
          %or3A_190 = arith.constant false
          %or3A_191 = arith.ori %or3A_190, %ne3A_189 : i1
          %or3A_192 = arith.constant false
          %or3A_193 = arith.ori %or3A_191, %or3A_192 : i1
          %sub3A_194 = arith.constant 2 : i32
          %sub3A_195 = arith.subi %mul3A_142, %sub3A_194 : i32
          %add3A_196 = arith.constant 1 : i32
          %add3A_197 = arith.addi %sub3A_195, %add3A_196 : i32
          %ge3A_198 = arith.cmpi sge, %while3A_135, %add3A_197 : i32
          %not3A_199 = arith.constant true
          %not3A_200 = arith.xori %ge3A_198, %not3A_199 : i1
          %and3A_201 = arith.andi %or3A_193, %not3A_200 : i1
          %ne3A_202 = arith.cmpi ne, %add3A_148, %add3A_158 : i32
          %or3A_203 = arith.constant false
          %or3A_204 = arith.ori %or3A_203, %ne3A_202 : i1
          %or3A_205 = arith.ori %or3A_204, %eq3A_144 : i1
          %convert_element_type3A_206 = arith.extui %or3A_205 : i1 to i32
          %cond3A_207 = arith.constant 0 : i32
          %cond3A_208 = arith.cmpi ne, %convert_element_type3A_206, %cond3A_207 : i32
          scf.if %cond3A_208 {
            "tpu.trace_start"() <{level = 10 : i32, message = "ep_wait_in"}> : () -> ()
            %mul3A_287 = arith.constant 128 : i32
            %mul3A_288 = arith.muli %mul3A_287, %add3A_148 : i32
            %rem3A_289 = arith.constant 2 : i32
            %rem3A_290 = arith.remui %while3A_137, %rem3A_289 : i32
            %dma_wait3A = arith.constant 0 : i32
            %dma_wait3A_291 = arith.constant 0 : i32
            %dma_wait3A_292 = tpu.memref_slice %run_scoped3A[%rem3A_290, %dma_wait3A, %dma_wait3A_291] : memref<2x1x128xi32, #tpu.memory_space<vmem>> -> memref<1x1x128xi32, #tpu.memory_space<vmem>>
            %dma_wait3A_293 = tpu.memref_squeeze %dma_wait3A_292 : memref<1x1x128xi32, #tpu.memory_space<vmem>> -> memref<1x128xi32, #tpu.memory_space<vmem>>
            %dma_wait3A_294 = arith.constant 0 : i32
            %dma_wait3A_295 = tpu.memref_slice %arg3[%dma_wait3A_294, %mul3A_288] : memref<1x1024xi32, #tpu.memory_space<hbm>> -> memref<1x128xi32, #tpu.memory_space<hbm>>
            %dma_wait3A_296 = tpu.memref_slice %run_scoped3A_10[%rem3A_290] : memref<2x!tpu.dma_semaphore, #tpu.memory_space<semaphore_mem>> -> memref<1x!tpu.dma_semaphore, #tpu.memory_space<semaphore_mem>>
            %dma_wait3A_297 = tpu.memref_squeeze %dma_wait3A_296 : memref<1x!tpu.dma_semaphore, #tpu.memory_space<semaphore_mem>> -> memref<!tpu.dma_semaphore, #tpu.memory_space<semaphore_mem>>
            %dma_wait3A_298 = arith.constant 0 : i32
            %dma_wait3A_299 = arith.constant 0 : i32
            %dma_wait3A_300 = tpu.memref_slice %run_scoped3A[%rem3A_290, %dma_wait3A_298, %dma_wait3A_299] : memref<2x1x128xi32, #tpu.memory_space<vmem>> -> memref<1x1x128xi32, #tpu.memory_space<vmem>>
            %dma_wait3A_301 = tpu.memref_squeeze %dma_wait3A_300 : memref<1x1x128xi32, #tpu.memory_space<vmem>> -> memref<1x128xi32, #tpu.memory_space<vmem>>
            %dma_wait3A_302 = arith.constant 0 : i32
            %dma_wait3A_303 = tpu.memref_slice %arg3[%dma_wait3A_302, %mul3A_288] : memref<1x1024xi32, #tpu.memory_space<hbm>> -> memref<1x128xi32, #tpu.memory_space<hbm>>
            tpu.wait_dma2 semaphore(%dma_wait3A_297 : memref<!tpu.dma_semaphore, #tpu.memory_space<semaphore_mem>>) src(%dma_wait3A_303 : memref<1x128xi32, #tpu.memory_space<hbm>>) dst(%dma_wait3A_301 : memref<1x128xi32, #tpu.memory_space<vmem>>)
            "tpu.trace_stop"() : () -> ()
          } else {
          }
          %ne3A_209 = arith.cmpi ne, %add3A_148, %add3A_158 : i32
          %or3A_210 = arith.constant false
          %or3A_211 = arith.ori %or3A_210, %ne3A_209 : i1
          %or3A_212 = arith.constant false
          %or3A_213 = arith.ori %or3A_211, %or3A_212 : i1
          %or3A_214 = arith.ori %or3A_213, %eq3A_144 : i1
          %convert_element_type3A_215 = arith.extui %or3A_214 : i1 to i32
          %cond3A_216 = arith.constant 0 : i32
          %cond3A_217 = arith.cmpi ne, %convert_element_type3A_215, %cond3A_216 : i32
          scf.if %cond3A_217 {
          } else {
          }
          %rem3A_218 = arith.constant 2 : i32
          %rem3A_219 = arith.remui %while3A_137, %rem3A_218 : i32
          %rem3A_220 = arith.constant 2 : i32
          %rem3A_221 = arith.remui %while3A_138, %rem3A_220 : i32
          %run_scoped3A_222 = arith.constant 0 : i32
          "tpu.trace_start"() <{level = 10 : i32, message = "ep_run_kernel"}> : () -> ()
          "tpu.region"() ({
            %run_scoped3A_287 = tpu.sem_alloc : memref<!tpu.dma_semaphore, #tpu.memory_space<semaphore_mem>>
            %dma_start3A_288 = arith.constant 0 : i32
            %dma_start3A_289 = arith.constant 0 : i32
            %dma_start3A_290 = tpu.memref_slice %run_scoped3A_11[%rem3A_221, %dma_start3A_288, %dma_start3A_289] : memref<2x128x256xf32, #tpu.memory_space<vmem>> -> memref<1x128x256xf32, #tpu.memory_space<vmem>>
            %dma_start3A_291 = tpu.memref_squeeze %dma_start3A_290 : memref<1x128x256xf32, #tpu.memory_space<vmem>> -> memref<128x256xf32, #tpu.memory_space<vmem>>
            %dma_start3A_292 = arith.constant 0 : i32
            %dma_start3A_293 = arith.constant 0 : i32
            %dma_start3A_294 = tpu.memref_slice %run_scoped3A[%rem3A_219, %dma_start3A_292, %dma_start3A_293] : memref<2x1x128xi32, #tpu.memory_space<vmem>> -> memref<1x1x128xi32, #tpu.memory_space<vmem>>
            %dma_start3A_295 = tpu.memref_squeeze %dma_start3A_294 : memref<1x1x128xi32, #tpu.memory_space<vmem>> -> memref<1x128xi32, #tpu.memory_space<vmem>>
            %dma_start3A_296 = arith.constant 0 : i32
            %dma_start3A_297 = tpu.memref_slice %dma_start3A_295[%run_scoped3A_222, %dma_start3A_296] : memref<1x128xi32, #tpu.memory_space<vmem>> -> memref<1x128xi32, #tpu.memory_space<vmem>>
            %dma_start3A_298 = tpu.memref_squeeze %dma_start3A_297 : memref<1x128xi32, #tpu.memory_space<vmem>> -> memref<128xi32, #tpu.memory_space<vmem>>
            %dma_start3A_299 = arith.constant 0 : i32
            %dma_start3A_300 = arith.constant 0 : i32
            %dma_start3A_301 = tpu.memref_slice %arg2[%dma_start3A_299, %dma_start3A_300] : memref<50000x256xf32, #tpu.memory_space<hbm>> -> memref<50000x256xf32, #tpu.memory_space<hbm>>
            tpu.enqueue_indirect_dma source(%dma_start3A_301 : memref<50000x256xf32, #tpu.memory_space<hbm>>) target(%dma_start3A_291 : memref<128x256xf32, #tpu.memory_space<vmem>>) offsets(%dma_start3A_298 : memref<128xi32, #tpu.memory_space<vmem>>) semaphore(%run_scoped3A_287 : memref<!tpu.dma_semaphore, #tpu.memory_space<semaphore_mem>>)
            %dma_wait3A = arith.constant 0 : i32
            %dma_wait3A_302 = arith.constant 0 : i32
            %dma_wait3A_303 = tpu.memref_slice %run_scoped3A_11[%rem3A_221, %dma_wait3A, %dma_wait3A_302] : memref<2x128x256xf32, #tpu.memory_space<vmem>> -> memref<1x128x256xf32, #tpu.memory_space<vmem>>
            %dma_wait3A_304 = tpu.memref_squeeze %dma_wait3A_303 : memref<1x128x256xf32, #tpu.memory_space<vmem>> -> memref<128x256xf32, #tpu.memory_space<vmem>>
            %dma_wait3A_305 = arith.constant 0 : i32
            %dma_wait3A_306 = arith.constant 0 : i32
            %dma_wait3A_307 = tpu.memref_slice %run_scoped3A[%rem3A_219, %dma_wait3A_305, %dma_wait3A_306] : memref<2x1x128xi32, #tpu.memory_space<vmem>> -> memref<1x1x128xi32, #tpu.memory_space<vmem>>
            %dma_wait3A_308 = tpu.memref_squeeze %dma_wait3A_307 : memref<1x1x128xi32, #tpu.memory_space<vmem>> -> memref<1x128xi32, #tpu.memory_space<vmem>>
            %dma_wait3A_309 = arith.constant 0 : i32
            %dma_wait3A_310 = tpu.memref_slice %dma_wait3A_308[%run_scoped3A_222, %dma_wait3A_309] : memref<1x128xi32, #tpu.memory_space<vmem>> -> memref<1x128xi32, #tpu.memory_space<vmem>>
            %dma_wait3A_311 = tpu.memref_squeeze %dma_wait3A_310 : memref<1x128xi32, #tpu.memory_space<vmem>> -> memref<128xi32, #tpu.memory_space<vmem>>
            %dma_wait3A_312 = arith.constant 0 : i32
            %dma_wait3A_313 = arith.constant 0 : i32
            %dma_wait3A_314 = tpu.memref_slice %arg2[%dma_wait3A_312, %dma_wait3A_313] : memref<50000x256xf32, #tpu.memory_space<hbm>> -> memref<50000x256xf32, #tpu.memory_space<hbm>>
            tpu.wait_indirect_dma semaphore(%run_scoped3A_287 : memref<!tpu.dma_semaphore, #tpu.memory_space<semaphore_mem>>) src(%dma_wait3A_314 : memref<50000x256xf32, #tpu.memory_space<hbm>>) dst(%dma_wait3A_304 : memref<128x256xf32, #tpu.memory_space<vmem>>)
            tpu.yield
          }) : () -> ()
          "tpu.trace_stop"() : () -> ()
          %ne3A_223 = arith.cmpi ne, %add3A_148, %add3A_166 : i32
          %or3A_224 = arith.constant false
          %or3A_225 = arith.ori %or3A_224, %ne3A_223 : i1
          %or3A_226 = arith.ori %or3A_225, %eq3A_147 : i1
          %convert_element_type3A_227 = arith.extui %or3A_226 : i1 to i32
          %cond3A_228 = arith.constant 0 : i32
          %cond3A_229 = arith.cmpi ne, %convert_element_type3A_227, %cond3A_228 : i32
          scf.if %cond3A_229 {
          } else {
          }
          %and3A_230 = arith.constant false
          %and3A_231 = arith.andi %or3A_226, %and3A_230 : i1
          %ne3A_232 = arith.cmpi ne, %add3A_148, %add3A_166 : i32
          %or3A_233 = arith.constant false
          %or3A_234 = arith.ori %or3A_233, %ne3A_232 : i1
          %or3A_235 = arith.constant false
          %or3A_236 = arith.ori %or3A_234, %or3A_235 : i1
          %or3A_237 = arith.ori %or3A_236, %eq3A_147 : i1
          %convert_element_type3A_238 = arith.extui %or3A_237 : i1 to i32
          %cond3A_239 = arith.constant 0 : i32
          %cond3A_240 = arith.cmpi ne, %convert_element_type3A_238, %cond3A_239 : i32
          scf.if %cond3A_240 {
            "tpu.trace_start"() <{level = 10 : i32, message = "ep_copy_out"}> : () -> ()
            %rem3A_287 = arith.constant 2 : i32
            %rem3A_288 = arith.remui %while3A_138, %rem3A_287 : i32
            %mul3A_289 = arith.constant 128 : i32
            %mul3A_290 = arith.muli %mul3A_289, %add3A_148 : i32
            %dma_start3A_291 = arith.constant 0 : i32
            %dma_start3A_292 = arith.constant 0 : i32
            %dma_start3A_293 = tpu.memref_slice %run_scoped3A_11[%rem3A_288, %dma_start3A_291, %dma_start3A_292] : memref<2x128x256xf32, #tpu.memory_space<vmem>> -> memref<1x128x256xf32, #tpu.memory_space<vmem>>
            %dma_start3A_294 = tpu.memref_squeeze %dma_start3A_293 : memref<1x128x256xf32, #tpu.memory_space<vmem>> -> memref<128x256xf32, #tpu.memory_space<vmem>>
            %dma_start3A_295 = arith.constant 0 : i32
            %dma_start3A_296 = tpu.memref_slice %arg4[%mul3A_290, %dma_start3A_295] : memref<1024x256xf32, #tpu.memory_space<hbm>> -> memref<128x256xf32, #tpu.memory_space<hbm>>
            %dma_start3A_297 = tpu.memref_slice %run_scoped3A_12[%rem3A_288] : memref<2x!tpu.dma_semaphore, #tpu.memory_space<semaphore_mem>> -> memref<1x!tpu.dma_semaphore, #tpu.memory_space<semaphore_mem>>
            %dma_start3A_298 = tpu.memref_squeeze %dma_start3A_297 : memref<1x!tpu.dma_semaphore, #tpu.memory_space<semaphore_mem>> -> memref<!tpu.dma_semaphore, #tpu.memory_space<semaphore_mem>>
            %dma_start3A_299 = arith.constant 0 : i32
            %dma_start3A_300 = tpu.memref_slice %arg4[%mul3A_290, %dma_start3A_299] : memref<1024x256xf32, #tpu.memory_space<hbm>> -> memref<128x256xf32, #tpu.memory_space<hbm>>
            %dma_start3A_301 = arith.constant 0 : i32
            %dma_start3A_302 = arith.constant 0 : i32
            %dma_start3A_303 = tpu.memref_slice %run_scoped3A_11[%rem3A_288, %dma_start3A_301, %dma_start3A_302] : memref<2x128x256xf32, #tpu.memory_space<vmem>> -> memref<1x128x256xf32, #tpu.memory_space<vmem>>
            %dma_start3A_304 = tpu.memref_squeeze %dma_start3A_303 : memref<1x128x256xf32, #tpu.memory_space<vmem>> -> memref<128x256xf32, #tpu.memory_space<vmem>>
            tpu.enqueue_dma source(%dma_start3A_304 : memref<128x256xf32, #tpu.memory_space<vmem>>) target(%dma_start3A_300 : memref<128x256xf32, #tpu.memory_space<hbm>>) target_semaphore(%dma_start3A_298 : memref<!tpu.dma_semaphore, #tpu.memory_space<semaphore_mem>>)
            "tpu.trace_stop"() : () -> ()
          } else {
          }
          %and3A_241 = arith.constant true
          %and3A_242 = arith.andi %or3A_237, %and3A_241 : i1
          %add3A_243 = arith.constant 1 : i32
          %add3A_244 = arith.addi %while3A_138, %add3A_243 : i32
          %select_n3A_245 = arith.select %and3A_242, %add3A_244, %while3A_138 : i32
          %ne3A_246 = arith.cmpi ne, %add3A_148, %add3A_158 : i32
          %or3A_247 = arith.constant false
          %or3A_248 = arith.ori %or3A_247, %ne3A_246 : i1
          %not3A_249 = arith.constant true
          %not3A_250 = arith.xori %eq3A_144, %not3A_249 : i1
          %and3A_251 = arith.andi %or3A_248, %not3A_250 : i1
          %convert_element_type3A_252 = arith.extui %and3A_251 : i1 to i32
          %cond3A_253 = arith.constant 0 : i32
          %cond3A_254 = arith.cmpi ne, %convert_element_type3A_252, %cond3A_253 : i32
          scf.if %cond3A_254 {
          } else {
          }
          %and3A_255 = arith.constant false
          %and3A_256 = arith.andi %and3A_251, %and3A_255 : i1
          %ne3A_257 = arith.cmpi ne, %add3A_148, %add3A_158 : i32
          %or3A_258 = arith.constant false
          %or3A_259 = arith.ori %or3A_258, %ne3A_257 : i1
          %or3A_260 = arith.constant false
          %or3A_261 = arith.ori %or3A_259, %or3A_260 : i1
          %not3A_262 = arith.constant true
          %not3A_263 = arith.xori %eq3A_144, %not3A_262 : i1
          %and3A_264 = arith.andi %or3A_261, %not3A_263 : i1
          %convert_element_type3A_265 = arith.extui %and3A_264 : i1 to i32
          %cond3A_266 = arith.constant 0 : i32
          %cond3A_267 = arith.cmpi ne, %convert_element_type3A_265, %cond3A_266 : i32
          scf.if %cond3A_267 {
            "tpu.trace_start"() <{level = 10 : i32, message = "ep_wait_out"}> : () -> ()
            %rem3A_287 = arith.constant 2 : i32
            %rem3A_288 = arith.remui %while3A_139, %rem3A_287 : i32
            %mul3A_289 = arith.constant 128 : i32
            %mul3A_290 = arith.muli %mul3A_289, %add3A_158 : i32
            %dma_wait3A = arith.constant 0 : i32
            %dma_wait3A_291 = arith.constant 0 : i32
            %dma_wait3A_292 = tpu.memref_slice %run_scoped3A_11[%rem3A_288, %dma_wait3A, %dma_wait3A_291] : memref<2x128x256xf32, #tpu.memory_space<vmem>> -> memref<1x128x256xf32, #tpu.memory_space<vmem>>
            %dma_wait3A_293 = tpu.memref_squeeze %dma_wait3A_292 : memref<1x128x256xf32, #tpu.memory_space<vmem>> -> memref<128x256xf32, #tpu.memory_space<vmem>>
            %dma_wait3A_294 = arith.constant 0 : i32
            %dma_wait3A_295 = tpu.memref_slice %arg4[%mul3A_290, %dma_wait3A_294] : memref<1024x256xf32, #tpu.memory_space<hbm>> -> memref<128x256xf32, #tpu.memory_space<hbm>>
            %dma_wait3A_296 = tpu.memref_slice %run_scoped3A_12[%rem3A_288] : memref<2x!tpu.dma_semaphore, #tpu.memory_space<semaphore_mem>> -> memref<1x!tpu.dma_semaphore, #tpu.memory_space<semaphore_mem>>
            %dma_wait3A_297 = tpu.memref_squeeze %dma_wait3A_296 : memref<1x!tpu.dma_semaphore, #tpu.memory_space<semaphore_mem>> -> memref<!tpu.dma_semaphore, #tpu.memory_space<semaphore_mem>>
            %dma_wait3A_298 = arith.constant 0 : i32
            %dma_wait3A_299 = tpu.memref_slice %arg4[%mul3A_290, %dma_wait3A_298] : memref<1024x256xf32, #tpu.memory_space<hbm>> -> memref<128x256xf32, #tpu.memory_space<hbm>>
            %dma_wait3A_300 = arith.constant 0 : i32
            %dma_wait3A_301 = arith.constant 0 : i32
            %dma_wait3A_302 = tpu.memref_slice %run_scoped3A_11[%rem3A_288, %dma_wait3A_300, %dma_wait3A_301] : memref<2x128x256xf32, #tpu.memory_space<vmem>> -> memref<1x128x256xf32, #tpu.memory_space<vmem>>
            %dma_wait3A_303 = tpu.memref_squeeze %dma_wait3A_302 : memref<1x128x256xf32, #tpu.memory_space<vmem>> -> memref<128x256xf32, #tpu.memory_space<vmem>>
            tpu.wait_dma2 semaphore(%dma_wait3A_297 : memref<!tpu.dma_semaphore, #tpu.memory_space<semaphore_mem>>) src(%dma_wait3A_303 : memref<128x256xf32, #tpu.memory_space<vmem>>) dst(%dma_wait3A_299 : memref<128x256xf32, #tpu.memory_space<hbm>>)
            "tpu.trace_stop"() : () -> ()
          } else {
          }
          %and3A_268 = arith.constant true
          %and3A_269 = arith.andi %and3A_264, %and3A_268 : i1
          %add3A_270 = arith.constant 1 : i32
          %add3A_271 = arith.addi %while3A_139, %add3A_270 : i32
          %select_n3A_272 = arith.select %and3A_269, %add3A_271, %while3A_139 : i32
          %ne3A_273 = arith.cmpi ne, %add3A_148, %add3A_166 : i32
          %or3A_274 = arith.constant false
          %or3A_275 = arith.ori %or3A_274, %ne3A_273 : i1
          %or3A_276 = arith.ori %or3A_275, %eq3A_147 : i1
          %add3A_277 = arith.constant 1 : i32
          %add3A_278 = arith.addi %while3A_137, %add3A_277 : i32
          %select_n3A_279 = arith.select %or3A_276, %add3A_278, %while3A_137 : i32
          %add3A_280 = arith.constant 1 : i32
          %add3A_281 = arith.addi %while3A_140, %add3A_280 : i32
          %select_n3A_282 = arith.constant true
          %select_n3A_283 = arith.select %select_n3A_282, %add3A_281, %while3A_140 : i32
          %eq3A_284 = arith.cmpi eq, %select_n3A_283, %select_n3A : i32
          %select_n3A_285 = arith.constant 0 : i32
          %select_n3A_286 = arith.select %eq3A_284, %select_n3A_285, %select_n3A_283 : i32
          scf.yield %select_n3A_188, %select_n3A_279, %select_n3A_245, %select_n3A_272, %select_n3A_286 : i32, i32, i32, i32, i32
        }
        %while3A_82 = arith.constant 1 : i32
        %while3A_83:5 = scf.for %while3A_135 = %while3A_79 to %while3A_75 step %while3A_82 iter_args(%while3A_136 = %while3A_81#0, %while3A_137 = %while3A_81#1, %while3A_138 = %while3A_81#2, %while3A_139 = %while3A_81#3, %while3A_140 = %while3A_81#4) -> (i32, i32, i32, i32, i32)  : i32 {
          %mul3A_141 = arith.constant 1 : i32
          %mul3A_142 = arith.muli %mul3A_141, %select_n3A : i32
          %eq3A_143 = arith.constant 0 : i32
          %eq3A_144 = arith.cmpi eq, %while3A_135, %eq3A_143 : i32
          %sub3A_145 = arith.constant 1 : i32
          %sub3A_146 = arith.subi %mul3A_142, %sub3A_145 : i32
          %eq3A_147 = arith.cmpi eq, %while3A_135, %sub3A_146 : i32
          %add3A_148 = arith.addi %while3A_140, %select_n3A_7 : i32
          %sub3A_149 = arith.constant 1 : i32
          %sub3A_150 = arith.subi %while3A_140, %sub3A_149 : i32
          %select_n3A_151 = arith.constant true
          %select_n3A_152 = arith.select %select_n3A_151, %sub3A_150, %while3A_140 : i32
          %eq3A_153 = arith.constant -1 : i32
          %eq3A_154 = arith.cmpi eq, %select_n3A_152, %eq3A_153 : i32
          %sub3A_155 = arith.constant 1 : i32
          %sub3A_156 = arith.subi %select_n3A, %sub3A_155 : i32
          %select_n3A_157 = arith.select %eq3A_154, %sub3A_156, %select_n3A_152 : i32
          %add3A_158 = arith.addi %select_n3A_157, %select_n3A_7 : i32
          %add3A_159 = arith.constant 1 : i32
          %add3A_160 = arith.addi %while3A_140, %add3A_159 : i32
          %select_n3A_161 = arith.constant true
          %select_n3A_162 = arith.select %select_n3A_161, %add3A_160, %while3A_140 : i32
          %eq3A_163 = arith.cmpi eq, %select_n3A_162, %select_n3A : i32
          %select_n3A_164 = arith.constant 0 : i32
          %select_n3A_165 = arith.select %eq3A_163, %select_n3A_164, %select_n3A_162 : i32
          %add3A_166 = arith.addi %select_n3A_165, %select_n3A_7 : i32
          %add3A_167 = arith.constant 1 : i32
          %add3A_168 = arith.addi %select_n3A_165, %add3A_167 : i32
          %select_n3A_169 = arith.constant true
          %select_n3A_170 = arith.select %select_n3A_169, %add3A_168, %select_n3A_165 : i32
          %eq3A_171 = arith.cmpi eq, %select_n3A_170, %select_n3A : i32
          %select_n3A_172 = arith.constant 0 : i32
          %select_n3A_173 = arith.select %eq3A_171, %select_n3A_172, %select_n3A_170 : i32
          %add3A_174 = arith.addi %select_n3A_173, %select_n3A_7 : i32
          %ne3A = arith.cmpi ne, %add3A_148, %add3A_166 : i32
          %or3A = arith.constant false
          %or3A_175 = arith.ori %or3A, %ne3A : i1
          %sub3A_176 = arith.constant 2 : i32
          %sub3A_177 = arith.subi %mul3A_142, %sub3A_176 : i32
          %add3A_178 = arith.constant 1 : i32
          %add3A_179 = arith.addi %sub3A_177, %add3A_178 : i32
          %ge3A = arith.cmpi sge, %while3A_135, %add3A_179 : i32
          %not3A = arith.constant true
          %not3A_180 = arith.xori %ge3A, %not3A : i1
          %and3A = arith.andi %or3A_175, %not3A_180 : i1
          %convert_element_type3A_181 = arith.extui %and3A : i1 to i32
          %cond3A_182 = arith.constant 0 : i32
          %cond3A_183 = arith.cmpi ne, %convert_element_type3A_181, %cond3A_182 : i32
          scf.if %cond3A_183 {
            "tpu.trace_start"() <{level = 10 : i32, message = "ep_copy_in"}> : () -> ()
            %rem3A_287 = arith.constant 2 : i32
            %rem3A_288 = arith.remui %while3A_136, %rem3A_287 : i32
            %mul3A_289 = arith.constant 128 : i32
            %mul3A_290 = arith.muli %mul3A_289, %add3A_166 : i32
            %dma_start3A_291 = arith.constant 0 : i32
            %dma_start3A_292 = arith.constant 0 : i32
            %dma_start3A_293 = tpu.memref_slice %run_scoped3A[%rem3A_288, %dma_start3A_291, %dma_start3A_292] : memref<2x1x128xi32, #tpu.memory_space<vmem>> -> memref<1x1x128xi32, #tpu.memory_space<vmem>>
            %dma_start3A_294 = tpu.memref_squeeze %dma_start3A_293 : memref<1x1x128xi32, #tpu.memory_space<vmem>> -> memref<1x128xi32, #tpu.memory_space<vmem>>
            %dma_start3A_295 = arith.constant 0 : i32
            %dma_start3A_296 = tpu.memref_slice %arg3[%dma_start3A_295, %mul3A_290] : memref<1x1024xi32, #tpu.memory_space<hbm>> -> memref<1x128xi32, #tpu.memory_space<hbm>>
            %dma_start3A_297 = tpu.memref_slice %run_scoped3A_10[%rem3A_288] : memref<2x!tpu.dma_semaphore, #tpu.memory_space<semaphore_mem>> -> memref<1x!tpu.dma_semaphore, #tpu.memory_space<semaphore_mem>>
            %dma_start3A_298 = tpu.memref_squeeze %dma_start3A_297 : memref<1x!tpu.dma_semaphore, #tpu.memory_space<semaphore_mem>> -> memref<!tpu.dma_semaphore, #tpu.memory_space<semaphore_mem>>
            %dma_start3A_299 = arith.constant 0 : i32
            %dma_start3A_300 = arith.constant 0 : i32
            %dma_start3A_301 = tpu.memref_slice %run_scoped3A[%rem3A_288, %dma_start3A_299, %dma_start3A_300] : memref<2x1x128xi32, #tpu.memory_space<vmem>> -> memref<1x1x128xi32, #tpu.memory_space<vmem>>
            %dma_start3A_302 = tpu.memref_squeeze %dma_start3A_301 : memref<1x1x128xi32, #tpu.memory_space<vmem>> -> memref<1x128xi32, #tpu.memory_space<vmem>>
            %dma_start3A_303 = arith.constant 0 : i32
            %dma_start3A_304 = tpu.memref_slice %arg3[%dma_start3A_303, %mul3A_290] : memref<1x1024xi32, #tpu.memory_space<hbm>> -> memref<1x128xi32, #tpu.memory_space<hbm>>
            tpu.enqueue_dma source(%dma_start3A_304 : memref<1x128xi32, #tpu.memory_space<hbm>>) target(%dma_start3A_302 : memref<1x128xi32, #tpu.memory_space<vmem>>) target_semaphore(%dma_start3A_298 : memref<!tpu.dma_semaphore, #tpu.memory_space<semaphore_mem>>)
            "tpu.trace_stop"() : () -> ()
          } else {
          }
          %and3A_184 = arith.constant true
          %and3A_185 = arith.andi %and3A, %and3A_184 : i1
          %add3A_186 = arith.constant 1 : i32
          %add3A_187 = arith.addi %while3A_136, %add3A_186 : i32
          %select_n3A_188 = arith.select %and3A_185, %add3A_187, %while3A_136 : i32
          %ne3A_189 = arith.cmpi ne, %add3A_148, %add3A_166 : i32
          %or3A_190 = arith.constant false
          %or3A_191 = arith.ori %or3A_190, %ne3A_189 : i1
          %or3A_192 = arith.constant false
          %or3A_193 = arith.ori %or3A_191, %or3A_192 : i1
          %sub3A_194 = arith.constant 2 : i32
          %sub3A_195 = arith.subi %mul3A_142, %sub3A_194 : i32
          %add3A_196 = arith.constant 1 : i32
          %add3A_197 = arith.addi %sub3A_195, %add3A_196 : i32
          %ge3A_198 = arith.cmpi sge, %while3A_135, %add3A_197 : i32
          %not3A_199 = arith.constant true
          %not3A_200 = arith.xori %ge3A_198, %not3A_199 : i1
          %and3A_201 = arith.andi %or3A_193, %not3A_200 : i1
          %ne3A_202 = arith.cmpi ne, %add3A_148, %add3A_158 : i32
          %or3A_203 = arith.constant false
          %or3A_204 = arith.ori %or3A_203, %ne3A_202 : i1
          %or3A_205 = arith.ori %or3A_204, %eq3A_144 : i1
          %convert_element_type3A_206 = arith.extui %or3A_205 : i1 to i32
          %cond3A_207 = arith.constant 0 : i32
          %cond3A_208 = arith.cmpi ne, %convert_element_type3A_206, %cond3A_207 : i32
          scf.if %cond3A_208 {
            "tpu.trace_start"() <{level = 10 : i32, message = "ep_wait_in"}> : () -> ()
            %mul3A_287 = arith.constant 128 : i32
            %mul3A_288 = arith.muli %mul3A_287, %add3A_148 : i32
            %rem3A_289 = arith.constant 2 : i32
            %rem3A_290 = arith.remui %while3A_137, %rem3A_289 : i32
            %dma_wait3A = arith.constant 0 : i32
            %dma_wait3A_291 = arith.constant 0 : i32
            %dma_wait3A_292 = tpu.memref_slice %run_scoped3A[%rem3A_290, %dma_wait3A, %dma_wait3A_291] : memref<2x1x128xi32, #tpu.memory_space<vmem>> -> memref<1x1x128xi32, #tpu.memory_space<vmem>>
            %dma_wait3A_293 = tpu.memref_squeeze %dma_wait3A_292 : memref<1x1x128xi32, #tpu.memory_space<vmem>> -> memref<1x128xi32, #tpu.memory_space<vmem>>
            %dma_wait3A_294 = arith.constant 0 : i32
            %dma_wait3A_295 = tpu.memref_slice %arg3[%dma_wait3A_294, %mul3A_288] : memref<1x1024xi32, #tpu.memory_space<hbm>> -> memref<1x128xi32, #tpu.memory_space<hbm>>
            %dma_wait3A_296 = tpu.memref_slice %run_scoped3A_10[%rem3A_290] : memref<2x!tpu.dma_semaphore, #tpu.memory_space<semaphore_mem>> -> memref<1x!tpu.dma_semaphore, #tpu.memory_space<semaphore_mem>>
            %dma_wait3A_297 = tpu.memref_squeeze %dma_wait3A_296 : memref<1x!tpu.dma_semaphore, #tpu.memory_space<semaphore_mem>> -> memref<!tpu.dma_semaphore, #tpu.memory_space<semaphore_mem>>
            %dma_wait3A_298 = arith.constant 0 : i32
            %dma_wait3A_299 = arith.constant 0 : i32
            %dma_wait3A_300 = tpu.memref_slice %run_scoped3A[%rem3A_290, %dma_wait3A_298, %dma_wait3A_299] : memref<2x1x128xi32, #tpu.memory_space<vmem>> -> memref<1x1x128xi32, #tpu.memory_space<vmem>>
            %dma_wait3A_301 = tpu.memref_squeeze %dma_wait3A_300 : memref<1x1x128xi32, #tpu.memory_space<vmem>> -> memref<1x128xi32, #tpu.memory_space<vmem>>
            %dma_wait3A_302 = arith.constant 0 : i32
            %dma_wait3A_303 = tpu.memref_slice %arg3[%dma_wait3A_302, %mul3A_288] : memref<1x1024xi32, #tpu.memory_space<hbm>> -> memref<1x128xi32, #tpu.memory_space<hbm>>
            tpu.wait_dma2 semaphore(%dma_wait3A_297 : memref<!tpu.dma_semaphore, #tpu.memory_space<semaphore_mem>>) src(%dma_wait3A_303 : memref<1x128xi32, #tpu.memory_space<hbm>>) dst(%dma_wait3A_301 : memref<1x128xi32, #tpu.memory_space<vmem>>)
            "tpu.trace_stop"() : () -> ()
          } else {
          }
          %ne3A_209 = arith.cmpi ne, %add3A_148, %add3A_158 : i32
          %or3A_210 = arith.constant false
          %or3A_211 = arith.ori %or3A_210, %ne3A_209 : i1
          %or3A_212 = arith.constant false
          %or3A_213 = arith.ori %or3A_211, %or3A_212 : i1
          %or3A_214 = arith.ori %or3A_213, %eq3A_144 : i1
          %convert_element_type3A_215 = arith.extui %or3A_214 : i1 to i32
          %cond3A_216 = arith.constant 0 : i32
          %cond3A_217 = arith.cmpi ne, %convert_element_type3A_215, %cond3A_216 : i32
          scf.if %cond3A_217 {
          } else {
          }
          %rem3A_218 = arith.constant 2 : i32
          %rem3A_219 = arith.remui %while3A_137, %rem3A_218 : i32
          %rem3A_220 = arith.constant 2 : i32
          %rem3A_221 = arith.remui %while3A_138, %rem3A_220 : i32
          %run_scoped3A_222 = arith.constant 0 : i32
          "tpu.trace_start"() <{level = 10 : i32, message = "ep_run_kernel"}> : () -> ()
          "tpu.region"() ({
            %run_scoped3A_287 = tpu.sem_alloc : memref<!tpu.dma_semaphore, #tpu.memory_space<semaphore_mem>>
            %dma_start3A_288 = arith.constant 0 : i32
            %dma_start3A_289 = arith.constant 0 : i32
            %dma_start3A_290 = tpu.memref_slice %run_scoped3A_11[%rem3A_221, %dma_start3A_288, %dma_start3A_289] : memref<2x128x256xf32, #tpu.memory_space<vmem>> -> memref<1x128x256xf32, #tpu.memory_space<vmem>>
            %dma_start3A_291 = tpu.memref_squeeze %dma_start3A_290 : memref<1x128x256xf32, #tpu.memory_space<vmem>> -> memref<128x256xf32, #tpu.memory_space<vmem>>
            %dma_start3A_292 = arith.constant 0 : i32
            %dma_start3A_293 = arith.constant 0 : i32
            %dma_start3A_294 = tpu.memref_slice %run_scoped3A[%rem3A_219, %dma_start3A_292, %dma_start3A_293] : memref<2x1x128xi32, #tpu.memory_space<vmem>> -> memref<1x1x128xi32, #tpu.memory_space<vmem>>
            %dma_start3A_295 = tpu.memref_squeeze %dma_start3A_294 : memref<1x1x128xi32, #tpu.memory_space<vmem>> -> memref<1x128xi32, #tpu.memory_space<vmem>>
            %dma_start3A_296 = arith.constant 0 : i32
            %dma_start3A_297 = tpu.memref_slice %dma_start3A_295[%run_scoped3A_222, %dma_start3A_296] : memref<1x128xi32, #tpu.memory_space<vmem>> -> memref<1x128xi32, #tpu.memory_space<vmem>>
            %dma_start3A_298 = tpu.memref_squeeze %dma_start3A_297 : memref<1x128xi32, #tpu.memory_space<vmem>> -> memref<128xi32, #tpu.memory_space<vmem>>
            %dma_start3A_299 = arith.constant 0 : i32
            %dma_start3A_300 = arith.constant 0 : i32
            %dma_start3A_301 = tpu.memref_slice %arg2[%dma_start3A_299, %dma_start3A_300] : memref<50000x256xf32, #tpu.memory_space<hbm>> -> memref<50000x256xf32, #tpu.memory_space<hbm>>
            tpu.enqueue_indirect_dma source(%dma_start3A_301 : memref<50000x256xf32, #tpu.memory_space<hbm>>) target(%dma_start3A_291 : memref<128x256xf32, #tpu.memory_space<vmem>>) offsets(%dma_start3A_298 : memref<128xi32, #tpu.memory_space<vmem>>) semaphore(%run_scoped3A_287 : memref<!tpu.dma_semaphore, #tpu.memory_space<semaphore_mem>>)
            %dma_wait3A = arith.constant 0 : i32
            %dma_wait3A_302 = arith.constant 0 : i32
            %dma_wait3A_303 = tpu.memref_slice %run_scoped3A_11[%rem3A_221, %dma_wait3A, %dma_wait3A_302] : memref<2x128x256xf32, #tpu.memory_space<vmem>> -> memref<1x128x256xf32, #tpu.memory_space<vmem>>
            %dma_wait3A_304 = tpu.memref_squeeze %dma_wait3A_303 : memref<1x128x256xf32, #tpu.memory_space<vmem>> -> memref<128x256xf32, #tpu.memory_space<vmem>>
            %dma_wait3A_305 = arith.constant 0 : i32
            %dma_wait3A_306 = arith.constant 0 : i32
            %dma_wait3A_307 = tpu.memref_slice %run_scoped3A[%rem3A_219, %dma_wait3A_305, %dma_wait3A_306] : memref<2x1x128xi32, #tpu.memory_space<vmem>> -> memref<1x1x128xi32, #tpu.memory_space<vmem>>
            %dma_wait3A_308 = tpu.memref_squeeze %dma_wait3A_307 : memref<1x1x128xi32, #tpu.memory_space<vmem>> -> memref<1x128xi32, #tpu.memory_space<vmem>>
            %dma_wait3A_309 = arith.constant 0 : i32
            %dma_wait3A_310 = tpu.memref_slice %dma_wait3A_308[%run_scoped3A_222, %dma_wait3A_309] : memref<1x128xi32, #tpu.memory_space<vmem>> -> memref<1x128xi32, #tpu.memory_space<vmem>>
            %dma_wait3A_311 = tpu.memref_squeeze %dma_wait3A_310 : memref<1x128xi32, #tpu.memory_space<vmem>> -> memref<128xi32, #tpu.memory_space<vmem>>
            %dma_wait3A_312 = arith.constant 0 : i32
            %dma_wait3A_313 = arith.constant 0 : i32
            %dma_wait3A_314 = tpu.memref_slice %arg2[%dma_wait3A_312, %dma_wait3A_313] : memref<50000x256xf32, #tpu.memory_space<hbm>> -> memref<50000x256xf32, #tpu.memory_space<hbm>>
            tpu.wait_indirect_dma semaphore(%run_scoped3A_287 : memref<!tpu.dma_semaphore, #tpu.memory_space<semaphore_mem>>) src(%dma_wait3A_314 : memref<50000x256xf32, #tpu.memory_space<hbm>>) dst(%dma_wait3A_304 : memref<128x256xf32, #tpu.memory_space<vmem>>)
            tpu.yield
          }) : () -> ()
          "tpu.trace_stop"() : () -> ()
          %ne3A_223 = arith.cmpi ne, %add3A_148, %add3A_166 : i32
          %or3A_224 = arith.constant false
          %or3A_225 = arith.ori %or3A_224, %ne3A_223 : i1
          %or3A_226 = arith.ori %or3A_225, %eq3A_147 : i1
          %convert_element_type3A_227 = arith.extui %or3A_226 : i1 to i32
          %cond3A_228 = arith.constant 0 : i32
          %cond3A_229 = arith.cmpi ne, %convert_element_type3A_227, %cond3A_228 : i32
          scf.if %cond3A_229 {
          } else {
          }
          %and3A_230 = arith.constant false
          %and3A_231 = arith.andi %or3A_226, %and3A_230 : i1
          %ne3A_232 = arith.cmpi ne, %add3A_148, %add3A_166 : i32
          %or3A_233 = arith.constant false
          %or3A_234 = arith.ori %or3A_233, %ne3A_232 : i1
          %or3A_235 = arith.constant false
          %or3A_236 = arith.ori %or3A_234, %or3A_235 : i1
          %or3A_237 = arith.ori %or3A_236, %eq3A_147 : i1
          %convert_element_type3A_238 = arith.extui %or3A_237 : i1 to i32
          %cond3A_239 = arith.constant 0 : i32
          %cond3A_240 = arith.cmpi ne, %convert_element_type3A_238, %cond3A_239 : i32
          scf.if %cond3A_240 {
            "tpu.trace_start"() <{level = 10 : i32, message = "ep_copy_out"}> : () -> ()
            %rem3A_287 = arith.constant 2 : i32
            %rem3A_288 = arith.remui %while3A_138, %rem3A_287 : i32
            %mul3A_289 = arith.constant 128 : i32
            %mul3A_290 = arith.muli %mul3A_289, %add3A_148 : i32
            %dma_start3A_291 = arith.constant 0 : i32
            %dma_start3A_292 = arith.constant 0 : i32
            %dma_start3A_293 = tpu.memref_slice %run_scoped3A_11[%rem3A_288, %dma_start3A_291, %dma_start3A_292] : memref<2x128x256xf32, #tpu.memory_space<vmem>> -> memref<1x128x256xf32, #tpu.memory_space<vmem>>
            %dma_start3A_294 = tpu.memref_squeeze %dma_start3A_293 : memref<1x128x256xf32, #tpu.memory_space<vmem>> -> memref<128x256xf32, #tpu.memory_space<vmem>>
            %dma_start3A_295 = arith.constant 0 : i32
            %dma_start3A_296 = tpu.memref_slice %arg4[%mul3A_290, %dma_start3A_295] : memref<1024x256xf32, #tpu.memory_space<hbm>> -> memref<128x256xf32, #tpu.memory_space<hbm>>
            %dma_start3A_297 = tpu.memref_slice %run_scoped3A_12[%rem3A_288] : memref<2x!tpu.dma_semaphore, #tpu.memory_space<semaphore_mem>> -> memref<1x!tpu.dma_semaphore, #tpu.memory_space<semaphore_mem>>
            %dma_start3A_298 = tpu.memref_squeeze %dma_start3A_297 : memref<1x!tpu.dma_semaphore, #tpu.memory_space<semaphore_mem>> -> memref<!tpu.dma_semaphore, #tpu.memory_space<semaphore_mem>>
            %dma_start3A_299 = arith.constant 0 : i32
            %dma_start3A_300 = tpu.memref_slice %arg4[%mul3A_290, %dma_start3A_299] : memref<1024x256xf32, #tpu.memory_space<hbm>> -> memref<128x256xf32, #tpu.memory_space<hbm>>
            %dma_start3A_301 = arith.constant 0 : i32
            %dma_start3A_302 = arith.constant 0 : i32
            %dma_start3A_303 = tpu.memref_slice %run_scoped3A_11[%rem3A_288, %dma_start3A_301, %dma_start3A_302] : memref<2x128x256xf32, #tpu.memory_space<vmem>> -> memref<1x128x256xf32, #tpu.memory_space<vmem>>
            %dma_start3A_304 = tpu.memref_squeeze %dma_start3A_303 : memref<1x128x256xf32, #tpu.memory_space<vmem>> -> memref<128x256xf32, #tpu.memory_space<vmem>>
            tpu.enqueue_dma source(%dma_start3A_304 : memref<128x256xf32, #tpu.memory_space<vmem>>) target(%dma_start3A_300 : memref<128x256xf32, #tpu.memory_space<hbm>>) target_semaphore(%dma_start3A_298 : memref<!tpu.dma_semaphore, #tpu.memory_space<semaphore_mem>>)
            "tpu.trace_stop"() : () -> ()
          } else {
          }
          %and3A_241 = arith.constant true
          %and3A_242 = arith.andi %or3A_237, %and3A_241 : i1
          %add3A_243 = arith.constant 1 : i32
          %add3A_244 = arith.addi %while3A_138, %add3A_243 : i32
          %select_n3A_245 = arith.select %and3A_242, %add3A_244, %while3A_138 : i32
          %ne3A_246 = arith.cmpi ne, %add3A_148, %add3A_158 : i32
          %or3A_247 = arith.constant false
          %or3A_248 = arith.ori %or3A_247, %ne3A_246 : i1
          %not3A_249 = arith.constant true
          %not3A_250 = arith.xori %eq3A_144, %not3A_249 : i1
          %and3A_251 = arith.andi %or3A_248, %not3A_250 : i1
          %convert_element_type3A_252 = arith.extui %and3A_251 : i1 to i32
          %cond3A_253 = arith.constant 0 : i32
          %cond3A_254 = arith.cmpi ne, %convert_element_type3A_252, %cond3A_253 : i32
          scf.if %cond3A_254 {
          } else {
          }
          %and3A_255 = arith.constant false
          %and3A_256 = arith.andi %and3A_251, %and3A_255 : i1
          %ne3A_257 = arith.cmpi ne, %add3A_148, %add3A_158 : i32
          %or3A_258 = arith.constant false
          %or3A_259 = arith.ori %or3A_258, %ne3A_257 : i1
          %or3A_260 = arith.constant false
          %or3A_261 = arith.ori %or3A_259, %or3A_260 : i1
          %not3A_262 = arith.constant true
          %not3A_263 = arith.xori %eq3A_144, %not3A_262 : i1
          %and3A_264 = arith.andi %or3A_261, %not3A_263 : i1
          %convert_element_type3A_265 = arith.extui %and3A_264 : i1 to i32
          %cond3A_266 = arith.constant 0 : i32
          %cond3A_267 = arith.cmpi ne, %convert_element_type3A_265, %cond3A_266 : i32
          scf.if %cond3A_267 {
            "tpu.trace_start"() <{level = 10 : i32, message = "ep_wait_out"}> : () -> ()
            %rem3A_287 = arith.constant 2 : i32
            %rem3A_288 = arith.remui %while3A_139, %rem3A_287 : i32
            %mul3A_289 = arith.constant 128 : i32
            %mul3A_290 = arith.muli %mul3A_289, %add3A_158 : i32
            %dma_wait3A = arith.constant 0 : i32
            %dma_wait3A_291 = arith.constant 0 : i32
            %dma_wait3A_292 = tpu.memref_slice %run_scoped3A_11[%rem3A_288, %dma_wait3A, %dma_wait3A_291] : memref<2x128x256xf32, #tpu.memory_space<vmem>> -> memref<1x128x256xf32, #tpu.memory_space<vmem>>
            %dma_wait3A_293 = tpu.memref_squeeze %dma_wait3A_292 : memref<1x128x256xf32, #tpu.memory_space<vmem>> -> memref<128x256xf32, #tpu.memory_space<vmem>>
            %dma_wait3A_294 = arith.constant 0 : i32
            %dma_wait3A_295 = tpu.memref_slice %arg4[%mul3A_290, %dma_wait3A_294] : memref<1024x256xf32, #tpu.memory_space<hbm>> -> memref<128x256xf32, #tpu.memory_space<hbm>>
            %dma_wait3A_296 = tpu.memref_slice %run_scoped3A_12[%rem3A_288] : memref<2x!tpu.dma_semaphore, #tpu.memory_space<semaphore_mem>> -> memref<1x!tpu.dma_semaphore, #tpu.memory_space<semaphore_mem>>
            %dma_wait3A_297 = tpu.memref_squeeze %dma_wait3A_296 : memref<1x!tpu.dma_semaphore, #tpu.memory_space<semaphore_mem>> -> memref<!tpu.dma_semaphore, #tpu.memory_space<semaphore_mem>>
            %dma_wait3A_298 = arith.constant 0 : i32
            %dma_wait3A_299 = tpu.memref_slice %arg4[%mul3A_290, %dma_wait3A_298] : memref<1024x256xf32, #tpu.memory_space<hbm>> -> memref<128x256xf32, #tpu.memory_space<hbm>>
            %dma_wait3A_300 = arith.constant 0 : i32
            %dma_wait3A_301 = arith.constant 0 : i32
            %dma_wait3A_302 = tpu.memref_slice %run_scoped3A_11[%rem3A_288, %dma_wait3A_300, %dma_wait3A_301] : memref<2x128x256xf32, #tpu.memory_space<vmem>> -> memref<1x128x256xf32, #tpu.memory_space<vmem>>
            %dma_wait3A_303 = tpu.memref_squeeze %dma_wait3A_302 : memref<1x128x256xf32, #tpu.memory_space<vmem>> -> memref<128x256xf32, #tpu.memory_space<vmem>>
            tpu.wait_dma2 semaphore(%dma_wait3A_297 : memref<!tpu.dma_semaphore, #tpu.memory_space<semaphore_mem>>) src(%dma_wait3A_303 : memref<128x256xf32, #tpu.memory_space<vmem>>) dst(%dma_wait3A_299 : memref<128x256xf32, #tpu.memory_space<hbm>>)
            "tpu.trace_stop"() : () -> ()
          } else {
          }
          %and3A_268 = arith.constant true
          %and3A_269 = arith.andi %and3A_264, %and3A_268 : i1
          %add3A_270 = arith.constant 1 : i32
          %add3A_271 = arith.addi %while3A_139, %add3A_270 : i32
          %select_n3A_272 = arith.select %and3A_269, %add3A_271, %while3A_139 : i32
          %ne3A_273 = arith.cmpi ne, %add3A_148, %add3A_166 : i32
          %or3A_274 = arith.constant false
          %or3A_275 = arith.ori %or3A_274, %ne3A_273 : i1
          %or3A_276 = arith.ori %or3A_275, %eq3A_147 : i1
          %add3A_277 = arith.constant 1 : i32
          %add3A_278 = arith.addi %while3A_137, %add3A_277 : i32
          %select_n3A_279 = arith.select %or3A_276, %add3A_278, %while3A_137 : i32
          %add3A_280 = arith.constant 1 : i32
          %add3A_281 = arith.addi %while3A_140, %add3A_280 : i32
          %select_n3A_282 = arith.constant true
          %select_n3A_283 = arith.select %select_n3A_282, %add3A_281, %while3A_140 : i32
          %eq3A_284 = arith.cmpi eq, %select_n3A_283, %select_n3A : i32
          %select_n3A_285 = arith.constant 0 : i32
          %select_n3A_286 = arith.select %eq3A_284, %select_n3A_285, %select_n3A_283 : i32
          scf.yield %select_n3A_188, %select_n3A_279, %select_n3A_245, %select_n3A_272, %select_n3A_286 : i32, i32, i32, i32, i32
        }
        %sub3A_84 = arith.constant 1 : i32
        %sub3A_85 = arith.subi %while3A_83#4, %sub3A_84 : i32
        %select_n3A_86 = arith.constant true
        %select_n3A_87 = arith.select %select_n3A_86, %sub3A_85, %while3A_83#4 : i32
        %eq3A_88 = arith.constant -1 : i32
        %eq3A_89 = arith.cmpi eq, %select_n3A_87, %eq3A_88 : i32
        %sub3A_90 = arith.constant 1 : i32
        %sub3A_91 = arith.subi %select_n3A, %sub3A_90 : i32
        %select_n3A_92 = arith.select %eq3A_89, %sub3A_91, %select_n3A_87 : i32
        %sub3A_93 = arith.constant 1 : i32
        %sub3A_94 = arith.subi %mul3A_9, %sub3A_93 : i32
        %mul3A_95 = arith.constant 1 : i32
        %mul3A_96 = arith.muli %mul3A_95, %select_n3A : i32
        %eq3A_97 = arith.constant 0 : i32
        %eq3A_98 = arith.cmpi eq, %sub3A_94, %eq3A_97 : i32
        %sub3A_99 = arith.constant 1 : i32
        %sub3A_100 = arith.subi %mul3A_96, %sub3A_99 : i32
        %eq3A_101 = arith.cmpi eq, %sub3A_94, %sub3A_100 : i32
        %add3A_102 = arith.addi %select_n3A_92, %select_n3A_7 : i32
        %sub3A_103 = arith.constant 1 : i32
        %sub3A_104 = arith.subi %select_n3A_92, %sub3A_103 : i32
        %select_n3A_105 = arith.constant true
        %select_n3A_106 = arith.select %select_n3A_105, %sub3A_104, %select_n3A_92 : i32
        %eq3A_107 = arith.constant -1 : i32
        %eq3A_108 = arith.cmpi eq, %select_n3A_106, %eq3A_107 : i32
        %sub3A_109 = arith.constant 1 : i32
        %sub3A_110 = arith.subi %select_n3A, %sub3A_109 : i32
        %select_n3A_111 = arith.select %eq3A_108, %sub3A_110, %select_n3A_106 : i32
        %add3A_112 = arith.addi %select_n3A_111, %select_n3A_7 : i32
        %add3A_113 = arith.constant 1 : i32
        %add3A_114 = arith.addi %select_n3A_92, %add3A_113 : i32
        %select_n3A_115 = arith.constant true
        %select_n3A_116 = arith.select %select_n3A_115, %add3A_114, %select_n3A_92 : i32
        %eq3A_117 = arith.cmpi eq, %select_n3A_116, %select_n3A : i32
        %select_n3A_118 = arith.constant 0 : i32
        %select_n3A_119 = arith.select %eq3A_117, %select_n3A_118, %select_n3A_116 : i32
        %add3A_120 = arith.addi %select_n3A_119, %select_n3A_7 : i32
        %add3A_121 = arith.constant 1 : i32
        %add3A_122 = arith.addi %select_n3A_119, %add3A_121 : i32
        %select_n3A_123 = arith.constant true
        %select_n3A_124 = arith.select %select_n3A_123, %add3A_122, %select_n3A_119 : i32
        %eq3A_125 = arith.cmpi eq, %select_n3A_124, %select_n3A : i32
        %select_n3A_126 = arith.constant 0 : i32
        %select_n3A_127 = arith.select %eq3A_125, %select_n3A_126, %select_n3A_124 : i32
        %add3A_128 = arith.addi %select_n3A_127, %select_n3A_7 : i32
        %convert_element_type3A_129 = arith.extui %eq3A_101 : i1 to i32
        %cond3A_130 = arith.constant 0 : i32
        %cond3A_131 = arith.cmpi ne, %convert_element_type3A_129, %cond3A_130 : i32
        scf.if %cond3A_131 {
        } else {
        }
        %convert_element_type3A_132 = arith.extui %eq3A_101 : i1 to i32
        %cond3A_133 = arith.constant 0 : i32
        %cond3A_134 = arith.cmpi ne, %convert_element_type3A_132, %cond3A_133 : i32
        scf.if %cond3A_134 {
          "tpu.trace_start"() <{level = 10 : i32, message = "ep_finalize"}> : () -> ()
          %rem3A_135 = arith.constant 2 : i32
          %rem3A_136 = arith.remui %while3A_83#3, %rem3A_135 : i32
          %mul3A_137 = arith.constant 128 : i32
          %mul3A_138 = arith.muli %mul3A_137, %add3A_102 : i32
          %dma_wait3A = arith.constant 0 : i32
          %dma_wait3A_139 = arith.constant 0 : i32
          %dma_wait3A_140 = tpu.memref_slice %run_scoped3A_11[%rem3A_136, %dma_wait3A, %dma_wait3A_139] : memref<2x128x256xf32, #tpu.memory_space<vmem>> -> memref<1x128x256xf32, #tpu.memory_space<vmem>>
          %dma_wait3A_141 = tpu.memref_squeeze %dma_wait3A_140 : memref<1x128x256xf32, #tpu.memory_space<vmem>> -> memref<128x256xf32, #tpu.memory_space<vmem>>
          %dma_wait3A_142 = arith.constant 0 : i32
          %dma_wait3A_143 = tpu.memref_slice %arg4[%mul3A_138, %dma_wait3A_142] : memref<1024x256xf32, #tpu.memory_space<hbm>> -> memref<128x256xf32, #tpu.memory_space<hbm>>
          %dma_wait3A_144 = tpu.memref_slice %run_scoped3A_12[%rem3A_136] : memref<2x!tpu.dma_semaphore, #tpu.memory_space<semaphore_mem>> -> memref<1x!tpu.dma_semaphore, #tpu.memory_space<semaphore_mem>>
          %dma_wait3A_145 = tpu.memref_squeeze %dma_wait3A_144 : memref<1x!tpu.dma_semaphore, #tpu.memory_space<semaphore_mem>> -> memref<!tpu.dma_semaphore, #tpu.memory_space<semaphore_mem>>
          %dma_wait3A_146 = arith.constant 0 : i32
          %dma_wait3A_147 = tpu.memref_slice %arg4[%mul3A_138, %dma_wait3A_146] : memref<1024x256xf32, #tpu.memory_space<hbm>> -> memref<128x256xf32, #tpu.memory_space<hbm>>
          %dma_wait3A_148 = arith.constant 0 : i32
          %dma_wait3A_149 = arith.constant 0 : i32
          %dma_wait3A_150 = tpu.memref_slice %run_scoped3A_11[%rem3A_136, %dma_wait3A_148, %dma_wait3A_149] : memref<2x128x256xf32, #tpu.memory_space<vmem>> -> memref<1x128x256xf32, #tpu.memory_space<vmem>>
          %dma_wait3A_151 = tpu.memref_squeeze %dma_wait3A_150 : memref<1x128x256xf32, #tpu.memory_space<vmem>> -> memref<128x256xf32, #tpu.memory_space<vmem>>
          tpu.wait_dma2 semaphore(%dma_wait3A_145 : memref<!tpu.dma_semaphore, #tpu.memory_space<semaphore_mem>>) src(%dma_wait3A_151 : memref<128x256xf32, #tpu.memory_space<vmem>>) dst(%dma_wait3A_147 : memref<128x256xf32, #tpu.memory_space<hbm>>)
          "tpu.trace_stop"() : () -> ()
        } else {
        }
      } else {
      }
      tpu.yield
    }) : () -> ()
    return
  }
}

module attributes {stable_mosaic.version = 14 : i64} {
  func.func @_tc_body(%arg0: i32, %arg1: i32, %arg2: memref<2816x256xf32, #tpu.memory_space<vmem>>, %arg3: memref<2816x1xi32, #tpu.memory_space<vmem>>, %arg4: memref<1024x256xf32, #tpu.memory_space<vmem>>, %arg5: memref<256x256xf32, #tpu.memory_space<vmem>>, %arg6: memref<256x256xf32, #tpu.memory_space<vmem>>, %arg7: memref<1x256xf32, #tpu.memory_space<vmem>>, %arg8: memref<1x256xf32, #tpu.memory_space<vmem>>, %arg9: memref<1x256xf32, #tpu.memory_space<vmem>>, %arg10: memref<1024x256xf32, #tpu.memory_space<vmem>>, %arg11: memref<1024x256xf32, #tpu.memory_space<vmem>>, %arg12: memref<24x2816xf32, #tpu.memory_space<vmem>>, %arg13: memref<1x1024xf32, #tpu.memory_space<vmem>>) attributes {dimension_semantics = [#tpu.dimension_semantics<arbitrary>, #tpu.dimension_semantics<arbitrary>], iteration_bounds = array<i64: 2, 18>, scalar_prefetch = 0 : i64, scratch_operands = 3 : i64, tpu.core_type = #tpu.core_type<tc>, window_params = [{transform_indices = @transform_0, window_bounds = array<i64: 2816, 256>}, {transform_indices = @transform_1, window_bounds = array<i64: 2816, 1>}, {pipeline_mode = #tpu.pipeline_mode<synchronous>, transform_indices = @transform_2, window_bounds = array<i64: 1024, 256>}, {pipeline_mode = #tpu.pipeline_mode<synchronous>, transform_indices = @transform_3, window_bounds = array<i64: 256, 256>}, {pipeline_mode = #tpu.pipeline_mode<synchronous>, transform_indices = @transform_4, window_bounds = array<i64: 256, 256>}, {pipeline_mode = #tpu.pipeline_mode<synchronous>, transform_indices = @transform_5, window_bounds = array<i64: 1, 256>}, {pipeline_mode = #tpu.pipeline_mode<synchronous>, transform_indices = @transform_6, window_bounds = array<i64: 1, 256>}, {pipeline_mode = #tpu.pipeline_mode<synchronous>, transform_indices = @transform_7, window_bounds = array<i64: 1, 256>}, {pipeline_mode = #tpu.pipeline_mode<synchronous>, transform_indices = @transform_8, window_bounds = array<i64: 1024, 256>}]} {
    %eq3A = arith.constant 0 : i32
    %eq3A_0 = arith.cmpi eq, %arg0, %eq3A : i32
    %eq3A_1 = arith.constant 0 : i32
    %eq3A_2 = arith.cmpi eq, %arg1, %eq3A_1 : i32
    %and3A = arith.andi %eq3A_0, %eq3A_2 : i1
    %convert_element_type3A = arith.extui %and3A : i1 to i32
    %cond3A = arith.constant 0 : i32
    %cond3A_3 = arith.cmpi ne, %convert_element_type3A, %cond3A : i32
    scf.if %cond3A_3 {
      %get3A_21 = arith.constant 0 : index
      %get3A_22 = arith.constant 0 : index
      %get3A_23 = vector.load %arg4[%get3A_21, %get3A_22] : memref<1024x256xf32, #tpu.memory_space<vmem>>, vector<1024x256xf32>
      %get3A_24 = arith.constant 0 : index
      %get3A_25 = arith.constant 0 : index
      %get3A_26 = vector.load %arg6[%get3A_24, %get3A_25] : memref<256x256xf32, #tpu.memory_space<vmem>>, vector<256x256xf32>
      %dot_general3A = arith.constant dense<0.000000e+00> : vector<1024x256xf32>
      %dot_general3A_27 = tpu.matmul %get3A_23, %get3A_26, %dot_general3A {dimension_numbers = #tpu.dot_dimension_numbers<[1], [1], [0], [0], [0, 0, 1, 0], [], []>, transpose_lhs_hint = false} : vector<1024x256xf32>, vector<256x256xf32>, vector<1024x256xf32> -> vector<1024x256xf32>
      %get3A_28 = arith.constant 0 : index
      %get3A_29 = arith.constant 0 : index
      %get3A_30 = vector.load %arg7[%get3A_28, %get3A_29] : memref<1x256xf32, #tpu.memory_space<vmem>>, vector<1x256xf32>
      %add3A_31 = vector.broadcast %get3A_30 : vector<1x256xf32> to vector<1024x256xf32>
      %add3A_32 = arith.addf %dot_general3A_27, %add3A_31 : vector<1024x256xf32>
      %swap3A = arith.constant 0 : index
      %swap3A_33 = arith.constant 0 : index
      %swap3A_34 = vector.load %arg11[%swap3A, %swap3A_33] : memref<1024x256xf32, #tpu.memory_space<vmem>>, vector<1024x256xf32>
      tpu.vector_store %arg11[%swap3A, %swap3A_33], %add3A_32 {strides = array<i32>} : memref<1024x256xf32, #tpu.memory_space<vmem>>, vector<1024x256xf32>,
      %broadcast_in_dim3A = arith.constant 0.000000e+00 : f32
      %broadcast_in_dim3A_35 = vector.broadcast %broadcast_in_dim3A : f32 to vector<1x1024xf32>
      %swap3A_36 = arith.constant 0 : index
      %swap3A_37 = arith.constant 0 : index
      %swap3A_38 = vector.load %arg13[%swap3A_36, %swap3A_37] : memref<1x1024xf32, #tpu.memory_space<vmem>>, vector<1x1024xf32>
      tpu.vector_store %arg13[%swap3A_36, %swap3A_37], %broadcast_in_dim3A_35 {strides = array<i32>} : memref<1x1024xf32, #tpu.memory_space<vmem>>, vector<1x1024xf32>,
    } else {
    }
    %get3A = arith.constant 0 : index
    %get3A_4 = arith.constant 0 : index
    %get3A_5 = vector.load %arg3[%get3A, %get3A_4] : memref<2816x1xi32, #tpu.memory_space<vmem>>, vector<2816x1xi32>
    %iota3A = tpu.iota {dimensions = array<i32: 1>} : vector<2816x1024xi32>
    %mul3A = arith.constant 2816 : i32
    %mul3A_6 = arith.muli %arg1, %mul3A : i32
    %iota3A_7 = tpu.iota {dimensions = array<i32: 1>} : vector<1x2816xi32>
    %add3A = vector.broadcast %mul3A_6 : i32 to vector<1x2816xi32>
    %add3A_8 = arith.addi %add3A, %iota3A_7 : vector<1x2816xi32>
    %lt3A = arith.constant 50000 : i32
    %lt3A_9 = vector.broadcast %lt3A : i32 to vector<1x2816xi32>
    %lt3A_10 = arith.cmpi slt, %add3A_8, %lt3A_9 : vector<1x2816xi32>
    %eq3A_11 = arith.constant 0 : i32
    %eq3A_12 = arith.cmpi eq, %arg0, %eq3A_11 : i32
    %convert_element_type3A_13 = arith.extui %eq3A_12 : i1 to i32
    %cond3A_14 = arith.constant 0 : i32
    %cond3A_15 = arith.cmpi ne, %convert_element_type3A_13, %cond3A_14 : i32
    scf.if %cond3A_15 {
      %eq3A_21 = vector.broadcast %get3A_5 : vector<2816x1xi32> to vector<2816x1024xi32>
      %eq3A_22 = arith.cmpi eq, %eq3A_21, %iota3A : vector<2816x1024xi32>
      %convert_element_type3A_23 = arith.extui %eq3A_22 : vector<2816x1024xi1> to vector<2816x1024xi32>
      %convert_element_type3A_24 = arith.sitofp %convert_element_type3A_23 : vector<2816x1024xi32> to vector<2816x1024xf32>
      %get3A_25 = arith.constant 0 : index
      %get3A_26 = arith.constant 0 : index
      %get3A_27 = vector.load %arg2[%get3A_25, %get3A_26] : memref<2816x256xf32, #tpu.memory_space<vmem>>, vector<2816x256xf32>
      %get3A_28 = arith.constant 0 : index
      %get3A_29 = arith.constant 0 : index
      %get3A_30 = vector.load %arg5[%get3A_28, %get3A_29] : memref<256x256xf32, #tpu.memory_space<vmem>>, vector<256x256xf32>
      %dot_general3A = arith.constant dense<0.000000e+00> : vector<2816x256xf32>
      %dot_general3A_31 = tpu.matmul %get3A_27, %get3A_30, %dot_general3A {dimension_numbers = #tpu.dot_dimension_numbers<[1], [1], [0], [0], [0, 0, 1, 0], [], []>, transpose_lhs_hint = false} : vector<2816x256xf32>, vector<256x256xf32>, vector<2816x256xf32> -> vector<2816x256xf32>
      %get3A_32 = arith.constant 0 : index
      %get3A_33 = arith.constant 0 : index
      %get3A_34 = vector.load %arg11[%get3A_32, %get3A_33] : memref<1024x256xf32, #tpu.memory_space<vmem>>, vector<1024x256xf32>
      %dot_general3A_35 = arith.constant dense<0.000000e+00> : vector<2816x256xf32>
      %dot_general3A_36 = tpu.matmul %convert_element_type3A_24, %get3A_34, %dot_general3A_35 {dimension_numbers = #tpu.dot_dimension_numbers<[1], [0], [0], [1], [0, 0, 1, 1], [], []>, transpose_lhs_hint = false} : vector<2816x1024xf32>, vector<1024x256xf32>, vector<2816x256xf32> -> vector<2816x256xf32>
      %add3A_37 = arith.addf %dot_general3A_31, %dot_general3A_36 : vector<2816x256xf32>
      %logistic3A = arith.negf %add3A_37 : vector<2816x256xf32>
      %logistic3A_38 = math.exp %logistic3A : vector<2816x256xf32>
      %logistic3A_39 = arith.constant 1.000000e+00 : f32
      %logistic3A_40 = vector.broadcast %logistic3A_39 : f32 to vector<2816x256xf32>
      %logistic3A_41 = arith.addf %logistic3A_40, %logistic3A_38 : vector<2816x256xf32>
      %logistic3A_42 = arith.divf %logistic3A_40, %logistic3A_41 : vector<2816x256xf32>
      %get3A_43 = arith.constant 0 : index
      %get3A_44 = arith.constant 0 : index
      %get3A_45 = vector.load %arg8[%get3A_43, %get3A_44] : memref<1x256xf32, #tpu.memory_space<vmem>>, vector<1x256xf32>
      %dot_general3A_46 = arith.constant dense<0.000000e+00> : vector<1x2816xf32>
      %dot_general3A_47 = tpu.matmul %get3A_45, %logistic3A_42, %dot_general3A_46 {dimension_numbers = #tpu.dot_dimension_numbers<[1], [1], [0], [0], [0, 0, 1, 0], [], []>, transpose_lhs_hint = false} : vector<1x256xf32>, vector<2816x256xf32>, vector<1x2816xf32> -> vector<1x2816xf32>
      %exp3A = math.exp %dot_general3A_47 : vector<1x2816xf32>
      %jit3A = arith.constant 0.000000e+00 : f32
      %broadcast_in_dim3A = vector.broadcast %jit3A : f32 to vector<1x2816xf32>
      %select_n3A = arith.select %lt3A_10, %exp3A, %broadcast_in_dim3A : vector<1x2816xi1>, vector<1x2816xf32>
      %swap3A = arith.index_cast %arg1 : i32 to index
      %swap3A_48 = arith.constant 0 : index
      %swap3A_49 = vector.load %arg12[%swap3A, %swap3A_48] : memref<24x2816xf32, #tpu.memory_space<vmem>>, vector<1x2816xf32>
      tpu.vector_store %arg12[%swap3A, %swap3A_48], %select_n3A {strides = array<i32>} : memref<24x2816xf32, #tpu.memory_space<vmem>>, vector<1x2816xf32>,
      %get3A_50 = arith.constant 0 : index
      %get3A_51 = arith.constant 0 : index
      %get3A_52 = vector.load %arg13[%get3A_50, %get3A_51] : memref<1x1024xf32, #tpu.memory_space<vmem>>, vector<1x1024xf32>
      %dot_general3A_53 = arith.constant dense<0.000000e+00> : vector<1x1024xf32>
      %dot_general3A_54 = tpu.matmul %select_n3A, %convert_element_type3A_24, %dot_general3A_53 {dimension_numbers = #tpu.dot_dimension_numbers<[1], [0], [0], [1], [0, 0, 1, 1], [], []>, transpose_lhs_hint = false} : vector<1x2816xf32>, vector<2816x1024xf32>, vector<1x1024xf32> -> vector<1x1024xf32>
      %add3A_55 = arith.addf %get3A_52, %dot_general3A_54 : vector<1x1024xf32>
      %swap3A_56 = arith.constant 0 : index
      %swap3A_57 = arith.constant 0 : index
      %swap3A_58 = vector.load %arg13[%swap3A_56, %swap3A_57] : memref<1x1024xf32, #tpu.memory_space<vmem>>, vector<1x1024xf32>
      tpu.vector_store %arg13[%swap3A_56, %swap3A_57], %add3A_55 {strides = array<i32>} : memref<1x1024xf32, #tpu.memory_space<vmem>>, vector<1x1024xf32>,
    } else {
    }
    %eq3A_16 = arith.constant 1 : i32
    %eq3A_17 = arith.cmpi eq, %arg0, %eq3A_16 : i32
    %convert_element_type3A_18 = arith.extui %eq3A_17 : i1 to i32
    %cond3A_19 = arith.constant 0 : i32
    %cond3A_20 = arith.cmpi ne, %convert_element_type3A_18, %cond3A_19 : i32
    scf.if %cond3A_20 {
      %eq3A_21 = vector.broadcast %get3A_5 : vector<2816x1xi32> to vector<2816x1024xi32>
      %eq3A_22 = arith.cmpi eq, %eq3A_21, %iota3A : vector<2816x1024xi32>
      %convert_element_type3A_23 = arith.extui %eq3A_22 : vector<2816x1024xi1> to vector<2816x1024xi32>
      %convert_element_type3A_24 = arith.sitofp %convert_element_type3A_23 : vector<2816x1024xi32> to vector<2816x1024xf32>
      %convert_element_type3A_25 = arith.truncf %convert_element_type3A_24 : vector<2816x1024xf32> to vector<2816x1024xbf16>
      %get3A_26 = arith.index_cast %arg1 : i32 to index
      %get3A_27 = arith.constant 0 : index
      %get3A_28 = vector.load %arg12[%get3A_26, %get3A_27] : memref<24x2816xf32, #tpu.memory_space<vmem>>, vector<1x2816xf32>
      %transpose3A = tpu.transpose %get3A_28, [1, 0] : vector<1x2816xf32> -> vector<2816x1xf32>
      %mul3A_29 = arith.constant 2816 : i32
      %mul3A_30 = arith.muli %arg1, %mul3A_29 : i32
      %iota3A_31 = tpu.iota {dimensions = array<i32: 0>} : vector<2816x1xi32>
      %add3A_32 = vector.broadcast %mul3A_30 : i32 to vector<2816x1xi32>
      %add3A_33 = arith.addi %add3A_32, %iota3A_31 : vector<2816x1xi32>
      %lt3A_34 = arith.constant 50000 : i32
      %lt3A_35 = vector.broadcast %lt3A_34 : i32 to vector<2816x1xi32>
      %lt3A_36 = arith.cmpi slt, %add3A_33, %lt3A_35 : vector<2816x1xi32>
      %get3A_37 = arith.constant 0 : index
      %get3A_38 = arith.constant 0 : index
      %get3A_39 = vector.load %arg2[%get3A_37, %get3A_38] : memref<2816x256xf32, #tpu.memory_space<vmem>>, vector<2816x256xf32>
      %mul3A_40 = vector.broadcast %transpose3A : vector<2816x1xf32> to vector<2816x256xf32>
      %mul3A_41 = arith.mulf %get3A_39, %mul3A_40 : vector<2816x256xf32>
      %jit3A = arith.constant 0.000000e+00 : f32
      %broadcast_in_dim3A = vector.shape_cast %lt3A_36 : vector<2816x1xi1> to vector<2816x1xi1>
      %broadcast_in_dim3A_42 = vector.broadcast %broadcast_in_dim3A : vector<2816x1xi1> to vector<2816x256xi1>
      %broadcast_in_dim3A_43 = vector.broadcast %jit3A : f32 to vector<2816x256xf32>
      %select_n3A = arith.select %broadcast_in_dim3A_42, %mul3A_41, %broadcast_in_dim3A_43 : vector<2816x256xi1>, vector<2816x256xf32>
      %convert_element_type3A_44 = arith.truncf %select_n3A : vector<2816x256xf32> to vector<2816x256xbf16>
      %dot_general3A = arith.constant dense<0.000000e+00> : vector<1024x256xf32>
      %dot_general3A_45 = tpu.matmul %convert_element_type3A_25, %convert_element_type3A_44, %dot_general3A {dimension_numbers = #tpu.dot_dimension_numbers<[0], [0], [1], [1], [0, 1, 1, 1], [], []>, transpose_lhs_hint = false} : vector<2816x1024xbf16>, vector<2816x256xbf16>, vector<1024x256xf32> -> vector<1024x256xf32>
      %eq3A_46 = arith.constant 0 : i32
      %eq3A_47 = arith.cmpi eq, %arg1, %eq3A_46 : i32
      %convert_element_type3A_48 = arith.extui %eq3A_47 : i1 to i32
      %cond3A_49 = arith.constant 0 : i32
      %cond3A_50 = arith.cmpi ne, %convert_element_type3A_48, %cond3A_49 : i32
      scf.if %cond3A_50 {
        %swap3A = arith.constant 0 : index
        %swap3A_60 = arith.constant 0 : index
        %swap3A_61 = vector.load %arg10[%swap3A, %swap3A_60] : memref<1024x256xf32, #tpu.memory_space<vmem>>, vector<1024x256xf32>
        tpu.vector_store %arg10[%swap3A, %swap3A_60], %dot_general3A_45 {strides = array<i32>} : memref<1024x256xf32, #tpu.memory_space<vmem>>, vector<1024x256xf32>,
      } else {
      }
      %gt3A = arith.constant 0 : i32
      %gt3A_51 = arith.cmpi sgt, %arg1, %gt3A : i32
      %convert_element_type3A_52 = arith.extui %gt3A_51 : i1 to i32
      %cond3A_53 = arith.constant 0 : i32
      %cond3A_54 = arith.cmpi ne, %convert_element_type3A_52, %cond3A_53 : i32
      scf.if %cond3A_54 {
        %get3A_60 = arith.constant 0 : index
        %get3A_61 = arith.constant 0 : index
        %get3A_62 = vector.load %arg10[%get3A_60, %get3A_61] : memref<1024x256xf32, #tpu.memory_space<vmem>>, vector<1024x256xf32>
        %add3A_63 = arith.addf %get3A_62, %dot_general3A_45 : vector<1024x256xf32>
        %swap3A = arith.constant 0 : index
        %swap3A_64 = arith.constant 0 : index
        %swap3A_65 = vector.load %arg10[%swap3A, %swap3A_64] : memref<1024x256xf32, #tpu.memory_space<vmem>>, vector<1024x256xf32>
        tpu.vector_store %arg10[%swap3A, %swap3A_64], %add3A_63 {strides = array<i32>} : memref<1024x256xf32, #tpu.memory_space<vmem>>, vector<1024x256xf32>,
      } else {
      }
      %eq3A_55 = arith.constant 17 : i32
      %eq3A_56 = arith.cmpi eq, %arg1, %eq3A_55 : i32
      %convert_element_type3A_57 = arith.extui %eq3A_56 : i1 to i32
      %cond3A_58 = arith.constant 0 : i32
      %cond3A_59 = arith.cmpi ne, %convert_element_type3A_57, %cond3A_58 : i32
      scf.if %cond3A_59 {
        %get3A_60 = arith.constant 0 : index
        %get3A_61 = arith.constant 0 : index
        %get3A_62 = vector.load %arg13[%get3A_60, %get3A_61] : memref<1x1024xf32, #tpu.memory_space<vmem>>, vector<1x1024xf32>
        %gt3A_63 = arith.constant 0.000000e+00 : f32
        %gt3A_64 = vector.broadcast %gt3A_63 : f32 to vector<1x1024xf32>
        %gt3A_65 = arith.cmpf ogt, %get3A_62, %gt3A_64 : vector<1x1024xf32>
        %div3A = arith.constant 1.000000e+00 : f32
        %div3A_66 = vector.broadcast %div3A : f32 to vector<1x1024xf32>
        %div3A_67 = arith.divf %div3A_66, %get3A_62 : vector<1x1024xf32>
        %jit3A_68 = arith.constant 0.000000e+00 : f32
        %broadcast_in_dim3A_69 = vector.broadcast %jit3A_68 : f32 to vector<1x1024xf32>
        %select_n3A_70 = arith.select %gt3A_65, %div3A_67, %broadcast_in_dim3A_69 : vector<1x1024xi1>, vector<1x1024xf32>
        %transpose3A_71 = tpu.transpose %select_n3A_70, [1, 0] : vector<1x1024xf32> -> vector<1024x1xf32>
        %get3A_72 = arith.constant 0 : index
        %get3A_73 = arith.constant 0 : index
        %get3A_74 = vector.load %arg10[%get3A_72, %get3A_73] : memref<1024x256xf32, #tpu.memory_space<vmem>>, vector<1024x256xf32>
        %mul3A_75 = vector.broadcast %transpose3A_71 : vector<1024x1xf32> to vector<1024x256xf32>
        %mul3A_76 = arith.mulf %get3A_74, %mul3A_75 : vector<1024x256xf32>
        %gt3A_77 = arith.constant 0.000000e+00 : f32
        %gt3A_78 = vector.broadcast %gt3A_77 : f32 to vector<1024x256xf32>
        %gt3A_79 = arith.cmpf ogt, %mul3A_76, %gt3A_78 : vector<1024x256xf32>
        %get3A_80 = arith.constant 0 : index
        %get3A_81 = arith.constant 0 : index
        %get3A_82 = vector.load %arg9[%get3A_80, %get3A_81] : memref<1x256xf32, #tpu.memory_space<vmem>>, vector<1x256xf32>
        %mul3A_83 = vector.broadcast %get3A_82 : vector<1x256xf32> to vector<1024x256xf32>
        %mul3A_84 = arith.mulf %mul3A_83, %mul3A_76 : vector<1024x256xf32>
        %select_n3A_85 = arith.select %gt3A_79, %mul3A_76, %mul3A_84 : vector<1024x256xi1>, vector<1024x256xf32>
        %swap3A = arith.constant 0 : index
        %swap3A_86 = arith.constant 0 : index
        %swap3A_87 = vector.load %arg10[%swap3A, %swap3A_86] : memref<1024x256xf32, #tpu.memory_space<vmem>>, vector<1024x256xf32>
        tpu.vector_store %arg10[%swap3A, %swap3A_86], %select_n3A_85 {strides = array<i32>} : memref<1024x256xf32, #tpu.memory_space<vmem>>, vector<1024x256xf32>,
      } else {
      }
    } else {
    }
    return
  }
  func.func @transform_0(%arg0: i32, %arg1: i32) -> (i32, i32) {
    %c0_i32 = arith.constant 0 : i32
    %c0_i32_0 = arith.constant 0 : i32
    return %arg1, %c0_i32 : i32, i32
  }
  func.func @transform_1(%arg0: i32, %arg1: i32) -> (i32, i32) {
    %c0_i32 = arith.constant 0 : i32
    %c0_i32_0 = arith.constant 0 : i32
    return %arg1, %c0_i32 : i32, i32
  }
  func.func @transform_2(%arg0: i32, %arg1: i32) -> (i32, i32) {
    %c0_i32 = arith.constant 0 : i32
    %c0_i32_0 = arith.constant 0 : i32
    %c0_i32_1 = arith.constant 0 : i32
    return %c0_i32, %c0_i32_0 : i32, i32
  }
  func.func @transform_3(%arg0: i32, %arg1: i32) -> (i32, i32) {
    %c0_i32 = arith.constant 0 : i32
    %c0_i32_0 = arith.constant 0 : i32
    %c0_i32_1 = arith.constant 0 : i32
    return %c0_i32, %c0_i32_0 : i32, i32
  }
  func.func @transform_4(%arg0: i32, %arg1: i32) -> (i32, i32) {
    %c0_i32 = arith.constant 0 : i32
    %c0_i32_0 = arith.constant 0 : i32
    %c0_i32_1 = arith.constant 0 : i32
    return %c0_i32, %c0_i32_0 : i32, i32
  }
  func.func @transform_5(%arg0: i32, %arg1: i32) -> (i32, i32) {
    %c0_i32 = arith.constant 0 : i32
    %c0_i32_0 = arith.constant 0 : i32
    %c0_i32_1 = arith.constant 0 : i32
    return %c0_i32, %c0_i32_0 : i32, i32
  }
  func.func @transform_6(%arg0: i32, %arg1: i32) -> (i32, i32) {
    %c0_i32 = arith.constant 0 : i32
    %c0_i32_0 = arith.constant 0 : i32
    %c0_i32_1 = arith.constant 0 : i32
    return %c0_i32, %c0_i32_0 : i32, i32
  }
  func.func @transform_7(%arg0: i32, %arg1: i32) -> (i32, i32) {
    %c0_i32 = arith.constant 0 : i32
    %c0_i32_0 = arith.constant 0 : i32
    %c0_i32_1 = arith.constant 0 : i32
    return %c0_i32, %c0_i32_0 : i32, i32
  }
  func.func @transform_8(%arg0: i32, %arg1: i32) -> (i32, i32) {
    %c0_i32 = arith.constant 0 : i32
    %c0_i32_0 = arith.constant 0 : i32
    %c0_i32_1 = arith.constant 0 : i32
    return %c0_i32, %c0_i32_0 : i32, i32
  }
}

</mosaic_0001>

<sc_bundles>
// kernel: kernel.4.cloned.1.call-start
scs
__scs_entry_jumppad:
0x0: {  	(pc) =	sbr.rel $0x88, $3  }
0x1: {  	(tag) =	ssettag $0x0;
	lr =	simm.s32 $0x1  }
0x2: {  	[smem:$0x3F99] =	sst lr;
	_ =	strace $0xD0000000  }
0x3: {  	_ = 	snop  }
0x4: {  	_ = 	snop  }
0x5: {  	_ = 	snop  }
0x6: {  	_ = 	snop  }
0x7: {  	_ = 	snop  }
__scs_overlays_trampoline_lowered:
0x8: {  	[smem:$0x3FA8] =	sst s0  }
0x9: {  	[smem:$0x3FA9] =	sst s1  }
0xa: {  	[smem:$0x3FAA] =	sst s2  }
0xb: {  	[smem:$0x3FAB] =	sst s3  }
0xc: {  	[smem:$0x3FAC] =	sst s4  }
0xd: {  	[smem:$0x3FAD] =	sst s5  }
0xe: {  	[smem:$0x3FAE] =	sst s6  }
0xf: {  	[smem:$0x3FAF] =	sst s7  }
0x10: {  	[smem:$0x3FB0] =	sst s8  }
0x11: {  	[smem:$0x3FB1] =	sst s9;
	s0 =	simm.s32 @!p0 $0x0  }
0x12: {  	s1 =	sld [smem:$0x3F97];
	s0 =	simm.s32 @p0 $0x1  }
0x13: {  	[smem:$0x3FB2] =	sst s0;
	s0 =	simm.s32 @!p1 $0x0  }
0x14: {  	s2 =	sld [smem:$0x3F96];
	s0 =	simm.s32 @p1 $0x1  }
0x15: {  	[smem:$0x3FB3] =	sst s0;
	s0 =	simm.s32 @!p2 $0x0  }
0x16: {  	s3 =	sld [smem:$0x3FDB];
	s0 =	simm.s32 @p2 $0x1  }
0x17: {  	s4 =	simm.s32 $0x1BF5;
	[smem:$0x3FB5] =	sst s0  }
0x18: {  	s0 =	sld [smem:$0x3F98];
	_ =	swait.ge [sflag:s4], $0x0  }
0x19: {  	s7 =	sld [smem:$0x3F99]  }
0x1a: {  	s8 =	sadd.s32 $0xFFFFE003, lr  }
0x1b: {  	s9 =	sadd.s32 $0xFFFFFEF7, lr;
	s5 =	simm.s32 $0xFFFFFFFF;
	p2 =	slt.u32 s8, $0xFFFFF086  }
0x1c: {  	p1 =	slt.u32 s9, $0xF7A;
	s5 =	simm.s32 @!p2 $0x0  }
0x1d: {  	s5 =	simm.s32 @p1 $0x1;
	p0 =	seq.s32 s7, s2  }
0x1e: {  	s7 =	smul.u32 @!p0 $0xF7A, s2;
	p2 =	seq.s32 @!p0 s5, $0x0  }
0x1f: {  	s9 =	smul.u32 $0xF7A, s1;
	s8 =	simm.s32 @!p0 $0x1BF5;
	p2 =	por !p2, p0  }
0x20: {  	[sflag:s8] =	ssyncset.s32 @!p0 $0xFFFFF086;
	s6 =	sadd.s32 @!p0 s3, s7;
	s7 =	simm.s32 @!p0 $0x108  }
0x21: {  	s3 =	sadd.s32 s3, s9;
	s6 =	sadd.s32 @!p0 $0x88, s6;
	s7 =	simm.s32 @p2 $0x1082  }
0x22: {  	[simem:s7], [sflag:s8] =	dma.local @!p0 [hbm:s6], $0xF7A  }
0x23: {  	s9 =	sor.u32 $0xD0000000, s2;
	s6 =	simm.s32 $0x108;
	_ =	swait.ge @!p0 [sflag:s8], $0x0  }
0x24: {  	s3 =	sadd.s32 $0x88, s3;
	s6 =	simm.s32 @!p1 $0x1082;
	[sflag:s4] =	ssyncset.s32 $0xFFFFF086  }
0x25: {  	[simem:s6], [sflag:s4] =	dma.local [hbm:s3], $0xF7A  }
0x26: {  	[smem:$0x3F99] =	sst s1;
	(tag) =	ssettag s2;
	_ =	strace s9  }
0x27: {  	s1 =	sld [smem:$0x3FA9]  }
0x28: {  	s2 =	sld [smem:$0x3FAA]  }
0x29: {  	s4 =	sld [smem:$0x3FAC]  }
0x2a: {  	p0 =	seq.s32 s5, $0x0;
	s5 =	sld [smem:$0x3FAD]  }
0x2b: {  	s6 =	sld [smem:$0x3FAE]  }
0x2c: {  	s7 =	sld [smem:$0x3FAF]  }
0x2d: {  	s3 =	simm.s32 $0x108;
	s8 =	sld [smem:$0x3FB0]  }
0x2e: {  	s3 =	simm.s32 @!p0 $0x1082;
	s9 =	sld [smem:$0x3FB1]  }
0x2f: {  	lr =	sadd.s32 s0, s3;
	s0 =	sld [smem:$0x3FA8]  }
0x30: {  	s3 =	sld [smem:$0x3FAB]  }
0x31: {  	[smem:$0x3FB4] =	sst s10  }
0x32: {  	s10 =	sld [smem:$0x3FB2];
	_ =	sdelay $0x3  }
0x33: {  	p0 =	seq.s32 s10, $0x1;
	s10 =	sld [smem:$0x3FB4];
	_ =	sdelay $0x3  }
0x34: {  	[smem:$0x3FB4] =	sst s10  }
0x35: {  	s10 =	sld [smem:$0x3FB3];
	_ =	sdelay $0x3  }
0x36: {  	p1 =	seq.s32 s10, $0x1;
	s10 =	sld [smem:$0x3FB4];
	_ =	sdelay $0x3  }
0x37: {  	[smem:$0x3FB4] =	sst s10  }
0x38: {  	s10 =	sld [smem:$0x3FB5]  }
0x39: {  	_ = 	snop;
	(pc) =	sbr.ind lr, $3  }
0x3a: {  	_ = 	snop  }
0x3b: {  	_ = 	snop  }
0x3c: {  	p2 =	seq.s32 s10, $0x1;
	s10 =	sld [smem:$0x3FB4]  }
0x3d: {  	_ =	shalt  }
0x3e: {  	_ =	shalt  }
0x3f: {  	_ =	shalt  }
0x40: {  	_ =	shalt  }
0x41: {  	_ =	shalt  }
0x42: {  	_ =	shalt  }
0x43: {  	_ =	shalt  }
0x44: {  	_ =	shalt  }
0x45: {  	_ =	shalt  }
0x46: {  	_ =	shalt  }
0x47: {  	_ =	shalt  }
0x48: {  	_ =	shalt  }
0x49: {  	_ =	shalt  }
0x4a: {  	_ =	shalt  }
0x4b: {  	_ =	shalt  }
0x4c: {  	_ =	shalt  }
0x4d: {  	_ =	shalt  }
0x4e: {  	_ =	shalt  }
0x4f: {  	_ =	shalt  }
0x50: {  	_ =	shalt  }
0x51: {  	_ =	shalt  }
0x52: {  	_ =	shalt  }
0x53: {  	_ =	shalt  }
0x54: {  	_ =	shalt  }
0x55: {  	_ =	shalt  }
0x56: {  	_ =	shalt  }
0x57: {  	_ =	shalt  }
0x58: {  	_ =	shalt  }
0x59: {  	_ =	shalt  }
0x5a: {  	_ =	shalt  }
0x5b: {  	_ =	shalt  }
0x5c: {  	_ =	shalt  }
0x5d: {  	_ =	shalt  }
0x5e: {  	_ =	shalt  }
0x5f: {  	_ =	shalt  }
0x60: {  	_ =	shalt  }
0x61: {  	_ =	shalt  }
0x62: {  	_ =	shalt  }
0x63: {  	_ =	shalt  }
0x64: {  	_ =	shalt  }
0x65: {  	_ =	shalt  }
0x66: {  	_ =	shalt  }
0x67: {  	_ =	shalt  }
0x68: {  	_ =	shalt  }
0x69: {  	_ =	shalt  }
0x6a: {  	_ =	shalt  }
0x6b: {  	_ =	shalt  }
0x6c: {  	_ =	shalt  }
0x6d: {  	_ =	shalt  }
0x6e: {  	_ =	shalt  }
0x6f: {  	_ =	shalt  }
0x70: {  	_ =	shalt  }
0x71: {  	_ =	shalt  }
0x72: {  	_ =	shalt  }
0x73: {  	_ =	shalt  }
0x74: {  	_ =	shalt  }
0x75: {  	_ =	shalt  }
0x76: {  	_ =	shalt  }
0x77: {  	_ =	shalt  }
0x78: {  	_ =	shalt  }
0x79: {  	_ =	shalt  }
0x7a: {  	_ =	shalt  }
0x7b: {  	_ =	shalt  }
0x7c: {  	_ =	shalt  }
0x7d: {  	_ =	shalt  }
0x7e: {  	_ =	shalt  }
0x7f: {  	_ =	shalt  }
0x80: {  	_ =	shalt  }
0x81: {  	_ =	shalt  }
0x82: {  	_ =	shalt  }
0x83: {  	_ =	shalt  }
0x84: {  	_ =	shalt  }
0x85: {  	_ =	shalt  }
0x86: {  	_ =	shalt  }
0x87: {  	_ =	shalt  }
.Lfunc_end0:
.L_simem_size_0:
called_computation_lowered:
.L_overlay_start_0:
0x88: {  	s2 =	sld [smem:$0x3FD9]  }
0x89: {  	s3 =	sld [smem:$0x3FFE];
	_ =	sdelay $0x1  }
0x8a: {  	s1 =	srdreg.scid  }
0x8b: {  	s0 =	sand.u32 $0x1, s1  }
0x8c: {  	s18 =	sshll.u32 s0, $0xA;
	s2 =	sadd.s32 s3, s2  }
0x8d: {  	s2 =	sadd.s32 s2, s18  }
0x8e: {  	[smem:$0x3FC0] =	sst s2  }
0x8f: {  	_ = 	snop  }
0x90: {  	s2 =	sld [smem:$0x3FC9]  }
0x91: {  	s19 =	sld [smem:$0x3FC7]  }
0x92: {  	s4 =	sld [smem:$0x3FD0];
	(tm) =	ssettm $0x1  }
0x93: {  	s5 =	sld [smem:$0x3FFB];
	_ =	sdelay $0x3  }
0x94: {  	_ =	strace s5  }
0x95: {  	s5 =	sld [smem:$0x3FFC];
	_ =	sdelay $0x3  }
0x96: {  	_ =	strace s5  }
0x97: {  	s5 =	sld [smem:$0x3FFD];
	_ =	sdelay $0x3  }
0x98: {  	_ =	strace s5  }
0x99: {  	_ =	strace $0x8FFFFFFF  }
0x9a: {  	s20 =	sld [smem:$0x3FDB];
	_ =	sdelay $0x1  }
0x9b: {  	s6 =	simm.s32 $_scs_section_size  }
0x9c: {  	s7 =	simm.s32 $_size__tile_overlayer_lowered;
	s8 =	simm.s32 $_tile_overlayer_lowered  }
0x9d: {  	s23 =	simm.s32 $0x1BFF;
	s22 =	sshll.u32 s8, $0x1;
	s5 =	sadd.s32 s6, s20  }
0x9e: {  	s9 =	simm.s32 $0x0;
	s21 =	sshll.u32 s7, $0x1;
	s7 =	sadd.s32 s22, s5  }
0x9f: {  	[timem:s9], [sflag:s23] =	dma.local [hbm:s7], s21  }
0xa0: {  	_ =	swait.ge [sflag:s23], s21  }
0xa1: {  	s6 =	ssub.s32 $0x0, s21;
	[sflag:s23] =	ssyncset.done $0x0  }
0xa2: {  	[sflag:s23] =	ssyncadd.s32 s6;
	_ =	sdelay $0x1  }
0xa3: {  	s24 =	simm.s32 $0x1B8B  }
0xa4: {  	_ =	swait.ge [sflag:s24], $0x1  }
0xa5: {  	[sflag:s24] =	ssyncset.done $0x0  }
0xa6: {  	s25 =	simm.s32 $0x1B8E;
	[sflag:s24] =	ssyncadd.s32 $0xFFFFFFFF  }
0xa7: {  	s26 =	simm.s32 $execute0_lowered;
	[smem:$0x3FD2] =	sst s25  }
0xa8: {  	s6 =	sshll.u32 s26, $0x1;
	_ =	strace $0x80000046;
	[dreg:$0x1] =	wrdreg $0xFFFFFFFF  }
0xa9: {  	s28 =	simm.s32 $_size_execute0_lowered;
	s5 =	sadd.s32 s5, s6;
	[dreg:$0x0] =	wrdreg $0x0  }
0xaa: {  	s6 =	sshll.u32 s28, $0x1;
	[dreg:$0x2] =	wrdreg s5  }
0xab: {  	[dreg:$0x3] =	wrdreg s6  }
0xac: {  	[dreg:$0x4] =	wrdreg $0xC0  }
0xad: {  	_ =	task [dreg:s9], $0x5FFFF  }
0xae: {  	[dreg:$0x1] =	wrdreg $0xFFFFFFFF  }
0xaf: {  	[dreg:$0x0] =	wrdreg $0x60  }
0xb0: {  	[dreg:$0x2] =	wrdreg s2  }
0xb1: {  	[dreg:$0x3] =	wrdreg s19  }
0xb2: {  	[dreg:$0x4] =	wrdreg s4  }
0xb3: {  	[dreg:$0x5] =	wrdreg $0x9  }
0xb4: {  	_ =	task.clear_ibuf [dreg:s9], $0x6FFFF;
	_ =	strace $0x90000046  }
0xb5: {  	s29 =	simm.s32 $0x9;
	_ =	strace $0x8000004F  }
0xb6: {  	_ =	swait.ge [sflag:s29], $0x1  }
0xb7: {  	[sflag:s29] =	ssyncadd.s32 $0xFFFFFFFF  }
0xb8: {  	_ =	strace $0x9000004F  }
0xb9: {  	_ =	sfence  }
0xba: {  	s30 =	sld [smem:$0x0];
	_ =	sdelay $0x2  }
0xbb: {  	s31 =	sshll.u32 s1, $0xD;
	s1 =	sshrl.u32 s1, $0x2  }
0xbc: {  	s3 =	sand.u32 $0x4000, s31;
	s1 =	sadd.s32 s1, s30  }
0xbd: {  	s0 =	sor.u32 s3, s0;
	s1 =	sshll.u32 s1, $0x11  }
0xbe: {  	s0 =	sor.u32 s1, s0  }
0xbf: {  	s0 =	sadd.s32 $0x8F2B, s0  }
0xc0: {  	[sflag:s0] =	ssyncadd.remote.s32 $0x1  }
0xc1: {  	_ =	sfence.sel $0xFFFF  }
0xc2: {  	[dreg:$0x0] =	wrdreg $0xFFFFFFFF;
	(pc) =	sbr.abs _section_cstart, $3  }
0xc3: {  	[dreg:$0x1] =	wrdreg $0xFFFFFFFF  }
0xc4: {  	_ =	task.clear_ibuf [dreg:s9], $0x2FFFF;
	_ =	strace $0x9FFFFFFF  }
0xc5: {  	(tm) =	ssettm $0x7FFFFFFF  }
tec
execute0_lowered:
.L_overlay_start_1:
0x0: {  	(tag) =	ssettag $0x1  }
0x1: {  	s2 =	stileid.u32  }
0x2: {  	p0 =	sgt.u32 s2, $0x7  }
.Ltmp0:
0x3: {  	s1 =	rddreg [dreg:$0x0];
	(pc) =	sbr.rel @p0 .LBB2_3-.Ltmp0, $4  }
0x4: {  	s4 =	rddreg [dreg:$0x1]  }
0x5: {  	s5 =	rddreg [dreg:$0x2];
	s3 =	simm.s32 $0x0  }
0x6: {  	[smem:$0x7FF] =	sst s3  }
0x7: {  	s0 =	rddreg [dreg:$0x3];
	_ =	strace $0x80000047  }
0x8: {  	s6 =	srdreg.scid;
	s7 =	smin.u32 s2, $0x8;
	s10 =	simm.s32 $0x1100  }
0x9: {  	s11 =	simm.s32 $0x1900;
	s12 =	simm.s32 $0x2100;
	s13 =	simm.s32 $0x2900  }
0xa: {  	s14 =	simm.s32 $0x3100;
	s15 =	simm.s32 $0x3900;
	s16 =	simm.s32 $0x4100  }
0xb: {  	s17 =	simm.s32 $0x4900;
	s18 =	simm.s32 $0x5100;
	s19 =	simm.s32 $0x5900  }
0xc: {  	s20 =	simm.s32 $0x6100;
	s21 =	simm.s32 $0x6900;
	s22 =	simm.s32 $0x7100  }
0xd: {  	s23 =	simm.s32 $0x7900;
	s24 =	simm.s32 $0x5;
	s6 =	sand.u32 $0x1, s6  }
0xe: {  	s25 =	simm.s32 $0x3;
	s8 =	sshll.u32 s7, $0x4;
	s6 =	ssub.s32 $0x2, s6  }
0xf: {  	v2 =	vlaneseq.u32;
	s7 =	sshll.u32 s7, $0xC;
	s4 =	sadd.s32 s4, s8;
	s9 =	sshrl.u32 s6, $0x1  }
0x10: {  	vm0 =	vmmov $0xffff;
	v1 =	vshrl.u32 v2, $0x3;
	s5 =	sadd.s32 s5, s7;
	s7 =	simm.s32 $0x1;
	s6 =	ssub.s32 s6, s9  }
0x11: {  	v0 =	vand.u32 $0x7, v2;
	v2 =	vor.u32 $0x8, v2;
	s8 =	simm.s32 $0x100;
	v1 =	vmul.u32 $0x8, v1;
	s9 =	simm.s32 $0x900;
	s6 =	smax.u32 s6, $0x1  }
.LBB2_2:
0x12: {  	_ =	strace $0x80000048  }
0x13: {  	[tilespmem:s3], [sflag:$0x1] =	stream.linear.gather [hbm4b:s4+s3], $0x80, $0x200038;
	[tilespmem:$0x10100] =	vst v63  }
0x14: {  	_ =	strace $0x90000048  }
0x15: {  	_ =	strace $0x8000004A  }
0x16: {  	_ =	swait.ge [sflag:s7], $0x80  }
0x17: {  	[sflag:s7] =	ssyncset.done $0x0  }
0x18: {  	[sflag:s7] =	ssyncadd.s32 $0xFFFFFF80  }
0x19: {  	_ =	strace $0x9000004A  }
0x1a: {  	_ =	strace $0x8000004B  }
0x1b: {  	v3 =	vld [tilespmem:$0x0];
	_ =	sdelay $0x4  }
0x1c: {  	v4 =	vshll.u32 v3, $0x1  }
0x1d: {  	v3 =	vand.u32 $0x7, v3;
	v4 =	vand.u32 $0xFFFFFFF0, v4  }
0x1e: {  	v3 =	vor.u32 v3, v4  }
0x1f: {  	v4 =	vperm.xlane v3, v0;
	_ =	sdelay $0x1  }
0x20: {  	v3 =	vperm.xlane v3, v2;
	v4 =	vadd.s32 v1, v4;
	_ =	sdelay $0x1  }
0x21: {  	v3 =	vadd.s32 v1, v3;
	_ =	sdelay $0x2  }
0x22: {  	[tilespmem:s8], [sflag:$0x5] =	stream.indirect_vreg.gather [hbm4b:s1+s3], $0x80, v4, vm0, $0x2000b8;
	[tilespmem:$0x10100] =	vst v63  }
0x23: {  	_ = 	snop  }
0x24: {  	[tilespmem:s9], [sflag:$0x5] =	stream.indirect_vreg.gather [hbm4b:s1+s3], $0x80, v3, vm0, $0x2000b8;
	[tilespmem:$0x10100] =	vst v63  }
0x25: {  	v3 =	vld [tilespmem:$0x10];
	_ =	sdelay $0x4  }
0x26: {  	v57 =	vshll.u32 v3, $0x1  }
0x27: {  	v3 =	vand.u32 $0x7, v3;
	v4 =	vand.u32 $0xFFFFFFF0, v57  }
0x28: {  	v3 =	vor.u32 v3, v4  }
0x29: {  	v4 =	vperm.xlane v3, v0;
	_ =	sdelay $0x1  }
0x2a: {  	v3 =	vperm.xlane v3, v2;
	v4 =	vadd.s32 v1, v4;
	_ =	sdelay $0x1  }
0x2b: {  	v3 =	vadd.s32 v1, v3;
	_ =	sdelay $0x2  }
0x2c: {  	[tilespmem:s10], [sflag:$0x5] =	stream.indirect_vreg.gather [hbm4b:s1+s3], $0x80, v4, vm0, $0x2000b8;
	[tilespmem:$0x10100] =	vst v63  }
0x2d: {  	_ = 	snop  }
0x2e: {  	[tilespmem:s11], [sflag:$0x5] =	stream.indirect_vreg.gather [hbm4b:s1+s3], $0x80, v3, vm0, $0x2000b8;
	[tilespmem:$0x10100] =	vst v63  }
0x2f: {  	v3 =	vld [tilespmem:$0x20];
	_ =	sdelay $0x4  }
0x30: {  	v58 =	vshll.u32 v3, $0x1  }
0x31: {  	v3 =	vand.u32 $0x7, v3;
	v4 =	vand.u32 $0xFFFFFFF0, v58  }
0x32: {  	v3 =	vor.u32 v3, v4  }
0x33: {  	v4 =	vperm.xlane v3, v0;
	_ =	sdelay $0x1  }
0x34: {  	v3 =	vperm.xlane v3, v2;
	v4 =	vadd.s32 v1, v4;
	_ =	sdelay $0x1  }
0x35: {  	v3 =	vadd.s32 v1, v3;
	_ =	sdelay $0x2  }
0x36: {  	[tilespmem:s12], [sflag:$0x5] =	stream.indirect_vreg.gather [hbm4b:s1+s3], $0x80, v4, vm0, $0x2000b8;
	[tilespmem:$0x10100] =	vst v63  }
0x37: {  	_ = 	snop  }
0x38: {  	[tilespmem:s13], [sflag:$0x5] =	stream.indirect_vreg.gather [hbm4b:s1+s3], $0x80, v3, vm0, $0x2000b8;
	[tilespmem:$0x10100] =	vst v63  }
0x39: {  	v3 =	vld [tilespmem:$0x30];
	_ =	sdelay $0x4  }
0x3a: {  	v59 =	vshll.u32 v3, $0x1  }
0x3b: {  	v3 =	vand.u32 $0x7, v3;
	v4 =	vand.u32 $0xFFFFFFF0, v59  }
0x3c: {  	v3 =	vor.u32 v3, v4  }
0x3d: {  	v4 =	vperm.xlane v3, v0;
	_ =	sdelay $0x1  }
0x3e: {  	v3 =	vperm.xlane v3, v2;
	v4 =	vadd.s32 v1, v4;
	_ =	sdelay $0x1  }
0x3f: {  	v3 =	vadd.s32 v1, v3;
	_ =	sdelay $0x2  }
0x40: {  	[tilespmem:s14], [sflag:$0x5] =	stream.indirect_vreg.gather [hbm4b:s1+s3], $0x80, v4, vm0, $0x2000b8;
	[tilespmem:$0x10100] =	vst v63  }
0x41: {  	_ = 	snop  }
0x42: {  	[tilespmem:s15], [sflag:$0x5] =	stream.indirect_vreg.gather [hbm4b:s1+s3], $0x80, v3, vm0, $0x2000b8;
	[tilespmem:$0x10100] =	vst v63  }
0x43: {  	v3 =	vld [tilespmem:$0x40];
	_ =	sdelay $0x4  }
0x44: {  	v60 =	vshll.u32 v3, $0x1  }
0x45: {  	v3 =	vand.u32 $0x7, v3;
	v4 =	vand.u32 $0xFFFFFFF0, v60  }
0x46: {  	v3 =	vor.u32 v3, v4  }
0x47: {  	v4 =	vperm.xlane v3, v0;
	_ =	sdelay $0x1  }
0x48: {  	v3 =	vperm.xlane v3, v2;
	v4 =	vadd.s32 v1, v4;
	_ =	sdelay $0x1  }
0x49: {  	v3 =	vadd.s32 v1, v3;
	_ =	sdelay $0x2  }
0x4a: {  	[tilespmem:s16], [sflag:$0x5] =	stream.indirect_vreg.gather [hbm4b:s1+s3], $0x80, v4, vm0, $0x2000b8;
	[tilespmem:$0x10100] =	vst v63  }
0x4b: {  	_ = 	snop  }
0x4c: {  	[tilespmem:s17], [sflag:$0x5] =	stream.indirect_vreg.gather [hbm4b:s1+s3], $0x80, v3, vm0, $0x2000b8;
	[tilespmem:$0x10100] =	vst v63  }
0x4d: {  	v3 =	vld [tilespmem:$0x50];
	_ =	sdelay $0x4  }
0x4e: {  	v61 =	vshll.u32 v3, $0x1  }
0x4f: {  	v3 =	vand.u32 $0x7, v3;
	v4 =	vand.u32 $0xFFFFFFF0, v61  }
0x50: {  	v3 =	vor.u32 v3, v4  }
0x51: {  	v4 =	vperm.xlane v3, v0;
	_ =	sdelay $0x1  }
0x52: {  	v3 =	vperm.xlane v3, v2;
	v4 =	vadd.s32 v1, v4;
	_ =	sdelay $0x1  }
0x53: {  	v3 =	vadd.s32 v1, v3;
	_ =	sdelay $0x2  }
0x54: {  	[tilespmem:s18], [sflag:$0x5] =	stream.indirect_vreg.gather [hbm4b:s1+s3], $0x80, v4, vm0, $0x2000b8;
	[tilespmem:$0x10100] =	vst v63  }
0x55: {  	_ = 	snop  }
0x56: {  	[tilespmem:s19], [sflag:$0x5] =	stream.indirect_vreg.gather [hbm4b:s1+s3], $0x80, v3, vm0, $0x2000b8;
	[tilespmem:$0x10100] =	vst v63  }
0x57: {  	v3 =	vld [tilespmem:$0x60];
	_ =	sdelay $0x4  }
0x58: {  	v62 =	vshll.u32 v3, $0x1  }
0x59: {  	v3 =	vand.u32 $0x7, v3;
	v4 =	vand.u32 $0xFFFFFFF0, v62  }
0x5a: {  	v3 =	vor.u32 v3, v4  }
0x5b: {  	v4 =	vperm.xlane v3, v0;
	_ =	sdelay $0x1  }
0x5c: {  	v3 =	vperm.xlane v3, v2;
	v4 =	vadd.s32 v1, v4;
	_ =	sdelay $0x1  }
0x5d: {  	v3 =	vadd.s32 v1, v3;
	_ =	sdelay $0x2  }
0x5e: {  	[tilespmem:s20], [sflag:$0x5] =	stream.indirect_vreg.gather [hbm4b:s1+s3], $0x80, v4, vm0, $0x2000b8;
	[tilespmem:$0x10100] =	vst v63  }
0x5f: {  	_ = 	snop  }
0x60: {  	[tilespmem:s21], [sflag:$0x5] =	stream.indirect_vreg.gather [hbm4b:s1+s3], $0x80, v3, vm0, $0x2000b8;
	[tilespmem:$0x10100] =	vst v63  }
0x61: {  	v3 =	vld [tilespmem:$0x70];
	_ =	sdelay $0x4  }
0x62: {  	v63 =	vshll.u32 v3, $0x1  }
0x63: {  	v3 =	vand.u32 $0x7, v3;
	v4 =	vand.u32 $0xFFFFFFF0, v63  }
0x64: {  	v3 =	vor.u32 v3, v4  }
0x65: {  	v4 =	vperm.xlane v3, v0;
	_ =	sdelay $0x1  }
0x66: {  	v3 =	vperm.xlane v3, v2;
	v4 =	vadd.s32 v1, v4;
	_ =	sdelay $0x1  }
0x67: {  	v3 =	vadd.s32 v1, v3;
	_ =	sdelay $0x2  }
0x68: {  	[tilespmem:s22], [sflag:$0x5] =	stream.indirect_vreg.gather [hbm4b:s1+s3], $0x80, v4, vm0, $0x2000b8;
	[tilespmem:$0x10100] =	vst v63  }
0x69: {  	_ = 	snop  }
0x6a: {  	[tilespmem:s23], [sflag:$0x5] =	stream.indirect_vreg.gather [hbm4b:s1+s3], $0x80, v3, vm0, $0x2000b8;
	[tilespmem:$0x10100] =	vst v63  }
0x6b: {  	_ =	swait.ge [sflag:s24], $0x8000  }
0x6c: {  	[sflag:s24] =	ssyncset.done $0x0  }
0x6d: {  	[sflag:s24] =	ssyncadd.s32 $0xFFFF8000  }
0x6e: {  	_ =	strace $0x9000004B  }
0x6f: {  	_ =	strace $0x8000004C  }
0x70: {  	[hbm4b:s5+s3] =	stream.linear.scatter [tilespmem:s8], [sflag:$0x3], $0x8000, $0x200038;
	[tilespmem:$0x10100] =	vst v63  }
0x71: {  	p0 =	sne.s32 s6, $0x1;
	_ =	strace $0x9000004C  }
.Ltmp1:
0x72: {  	_ =	strace $0x8000004E;
	(pc) =	sbr.rel @p0 .LBB2_2-.Ltmp1, $4  }
0x73: {  	_ =	swait.ge [sflag:s25], $0x8000  }
0x74: {  	[sflag:s25] =	ssyncset.done $0x0  }
0x75: {  	[sflag:s25] =	ssyncadd.s32 $0xFFFF8000  }
0x76: {  	s6 =	sadd.s32 $0xFFFFFFFF, s6;
	_ =	strace $0x9000004E  }
.LBB2_3:
0x77: {  	_ =	sfence.sel $0x180000  }
0x78: {  	[bflag:$0x0] =	sbarrier.arrive $0xFFFF  }
0x79: {  	p0 =	sne.s32 s2, $0x0;
	_ =	strace $0x90000047  }
0x7a: {  	s0 =	sadd.s32 @!p0 $0x100000, s0;
	[bflag:$0x2] =	sbarrier.arrive $0xFFFF  }
0x7b: {  	[sflag:s0] =	ssyncadd.tile.s32 @!p0 $0x1;
	_ =	shalt  }
.Lfunc_end2:
_tile_overlayer_lowered:
.L_overlay_start_2:
0x7c: {  	(tag) =	ssettag $0x2  }
0x7d: {  	s0 =	rddreg [dreg:$0x0];
	s2 =	stileid.u32  }
0x7e: {  	s1 =	rddreg [dreg:$0x1];
	p0 =	sne.s32 s2, $0x0  }
0x7f: {  	s3 =	rddreg [dreg:$0x2];
	[bflag:$0x3] =	sbarrier.arrive $0xFFFF;
	s2 =	simm.s32 @!p0 $0x1C01  }
0x80: {  	[timem:s3], [sflag:s2] =	dma.local @!p0 [hbm:s0], s1  }
0x81: {  	s0 =	simm.s32 @!p0 $0x1  }
0x82: {  	_ =	swait.ge @!p0 [sflag:s0], s1  }
0x83: {  	s1 =	ssub.s32 @!p0 $0x0, s1;
	[sflag:s0] =	ssyncset.done @!p0 $0x0  }
0x84: {  	[sflag:s0] =	ssyncadd.s32 @!p0 s1  }
0x85: {  	[bflag:$0x3] =	sbarrier.arrive $0xFFFF  }
0x86: {  	_ =	shalt  }

</sc_bundles>
